<compile_context>
chip_gen: v7x
topology: tpu7x:2x2x1
jax: 0.10.2.dev20260603
libtpu: 0.0.44.dev20260713+nightly
codegen_flags: <defaults>
</compile_context>

<pallas_src>
import dataclasses
import functools

import jax
import jax.numpy as jnp
import numpy as np
from jax import lax
from jax.experimental import pallas as pl
from jax.experimental.pallas import tpu as pltpu
from jax.experimental.pallas import tpu_sc as plsc

_NUM_BASES = 16
_D_MIN = 0.0
_D_MAX = 4.5
_WIDTH = (_D_MAX - _D_MIN) / _NUM_BASES
_INV_2W2 = 1.0 / (2.0 * _WIDTH * _WIDTH)
_C_STEP = (_D_MAX - _D_MIN) / (_NUM_BASES - 1)

_NC = 2
_NS = 16
_NW = _NC * _NS

_W = 2560
_WROWS = _W // 128

_MAGIC = np.int32(0x5F3759DF)


def _sc_body(coords_hbm, src_hbm, dst_hbm, d_hbm, vec_hbm,
             idx_s, idx_d, rows_s, rows_d, dloc, vloc, sem):
    E = src_hbm.shape[0] * 128
    nwin = E // _W
    wpt = (nwin + _NW - 1) // _NW
    cid = lax.axis_index("c")
    sid = lax.axis_index("s")
    wid = sid * _NC + cid

    iota16 = lax.iota(jnp.int32, 16)
    col0 = jnp.zeros((16,), jnp.int32)
    col1 = jnp.full((16,), 1, jnp.int32)
    col2 = jnp.full((16,), 2, jnp.int32)
    lmask = jnp.full((16,), 127, jnp.int32)

    @pl.loop(0, wpt)
    def _window(i):
        w = wid + i * _NW

        @pl.when(w < nwin)
        def _():
            r0 = w * _WROWS
            pltpu.sync_copy(src_hbm.at[pl.ds(r0, _WROWS)], idx_s)
            pltpu.sync_copy(dst_hbm.at[pl.ds(r0, _WROWS)], idx_d)

            handles = []
            for j in range(_WROWS):
                sl = pl.ds(j * 128, 128)
                handles.append(pltpu.async_copy(
                    coords_hbm.at[idx_s.at[j]], rows_s.at[sl], sem))
                handles.append(pltpu.async_copy(
                    coords_hbm.at[idx_d.at[j]], rows_d.at[sl], sem))
            for h in handles:
                h.wait()

            @pl.loop(0, _W, step=16)
            def _edges(e0):
                ri = iota16 + e0
                xs = plsc.load_gather(rows_s, [ri, col0])
                ys = plsc.load_gather(rows_s, [ri, col1])
                zs = plsc.load_gather(rows_s, [ri, col2])
                xd = plsc.load_gather(rows_d, [ri, col0])
                yd = plsc.load_gather(rows_d, [ri, col1])
                zd = plsc.load_gather(rows_d, [ri, col2])
                dx = xd - xs
                dy = yd - ys
                dz = zd - zs
                ss = jnp.maximum(dx * dx + dy * dy + dz * dz, 1e-24)
                yi = _MAGIC - lax.shift_right_logical(
                    plsc.bitcast(ss, jnp.int32), 1)
                y = plsc.bitcast(yi, jnp.float32)
                h = 0.5 * ss
                y = y * (1.5 - h * y * y)
                y = y * (1.5 - h * y * y)
                y = y * (1.5 - h * y * y)
                rr = lax.shift_right_logical(ri, 7)
                rc = ri & lmask
                plsc.store_scatter(dloc, [rr, rc], ss * y)
                plsc.store_scatter(vloc, [col0, rr, rc], dx * y)
                plsc.store_scatter(vloc, [col1, rr, rc], dy * y)
                plsc.store_scatter(vloc, [col2, rr, rc], dz * y)

            pltpu.sync_copy(dloc, d_hbm.at[pl.ds(w * _WROWS, _WROWS)])
            for c in range(3):
                pltpu.sync_copy(
                    vloc.at[c], vec_hbm.at[c, pl.ds(w * _WROWS, _WROWS)])


@functools.partial(jax.jit, static_argnames=())
def _sc_gather_norm(coords16, src2d, dst2d):
    E = src2d.shape[0] * 128
    mesh = plsc.VectorSubcoreMesh(core_axis_name="c", subcore_axis_name="s")
    cp = pltpu.CompilerParams()
    if "needs_layout_passes" in pltpu.CompilerParams.__dataclass_fields__:
        cp = dataclasses.replace(cp, needs_layout_passes=False)
    if "use_tc_tiling_on_sc" in pltpu.CompilerParams.__dataclass_fields__:
        cp = dataclasses.replace(cp, use_tc_tiling_on_sc=False)
    kern = pl.kernel(
        _sc_body,
        out_type=[
            jax.ShapeDtypeStruct((E // 128, 128), jnp.float32),
            jax.ShapeDtypeStruct((3, E // 128, 128), jnp.float32),
        ],
        mesh=mesh,
        scratch_types=[
            pltpu.VMEM((_WROWS, 128), jnp.int32),
            pltpu.VMEM((_WROWS, 128), jnp.int32),
            pltpu.VMEM((_W, 16), jnp.float32),
            pltpu.VMEM((_W, 16), jnp.float32),
            pltpu.VMEM((_WROWS, 128), jnp.float32),
            pltpu.VMEM((3, _WROWS, 128), jnp.float32),
            pltpu.SemaphoreType.DMA,
        ],
        compiler_params=cp,
    )
    return kern(coords16, src2d, dst2d)


def _rbf_body(d_ref, vec_ref, out_ref, vout_ref):
    dp = d_ref[...]
    bn = dp.shape[0]
    khi = pl.program_id(1)
    dd = jnp.broadcast_to(dp[:, None, :], (bn, 8, 128))
    klo = lax.broadcasted_iota(jnp.int32, (bn, 8, 128), 1)
    c = _C_STEP * (8 * khi + klo).astype(jnp.float32)
    t = dd - c
    out_ref[0] = jnp.exp(t * t * (-_INV_2W2))

    @pl.when(khi == 0)
    def _():
        vout_ref[...] = vec_ref[...]


def _rbf(d2d, vec3):
    R = d2d.shape[0]
    bn = 200
    return pl.pallas_call(
        _rbf_body,
        grid=(R // bn, 2),
        in_specs=[pl.BlockSpec((bn, 128), lambda i, k: (i, 0)),
                  pl.BlockSpec((3, bn, 128), lambda i, k: (0, i, 0))],
        out_specs=[pl.BlockSpec((1, bn, 8, 128), lambda i, k: (k, i, 0, 0)),
                   pl.BlockSpec((3, bn, 128), lambda i, k: (0, i, 0))],
        out_shape=[jax.ShapeDtypeStruct((2, R, 8, 128), jnp.float32),
                   jax.ShapeDtypeStruct((3, R, 128), jnp.float32)],
    )(d2d, vec3)


def kernel(coords, edge_index):
    N = coords.shape[0]
    E = edge_index.shape[1]
    coords16 = jnp.pad(coords, ((0, 0), (0, 13)))
    src2d = edge_index[0].reshape(E // 128, 128)
    dst2d = edge_index[1].reshape(E // 128, 128)
    d2d, vec3 = _sc_gather_norm(coords16, src2d, dst2d)
    scal4, vec3c = _rbf(d2d, vec3)
    scal = (scal4.transpose(0, 2, 1, 3)
            .reshape(_NUM_BASES, E).T)
    vec = vec3c.reshape(3, E).T.reshape(E, 3, 1)
    return scal, vec

# --- scband reference (transcript-rebuilt; emitter-appended) ---
"""Pipeline reference for scband-edge-embed-7000796692967 (READ-ONLY COPY).

The authoritative reference and input builder live on the scoring server;
editing this copy changes nothing except your own understanding.
"""

import jax, jax.numpy as jnp
import numpy as np

D_MIN = 0.0
D_MAX = 4.5
NUM_BASES = 16
N_NODES = 100000
N_EDGES = 3200000


def rbf_embed(d):
    # Gaussian RBF expansion: centers linspace(d_min, d_max, num_bases),
    # width = (d_max - d_min) / num_bases
    centers = jnp.linspace(D_MIN, D_MAX, NUM_BASES, dtype=jnp.float32)
    width = (D_MAX - D_MIN) / NUM_BASES
    return jnp.exp(-((d[..., None] - centers) ** 2) / (2.0 * width ** 2))


def setup_inputs(seed: int = 0) -> dict:
    key = jax.random.key(seed)
    k1, k2 = jax.random.split(key)
    coords = jax.random.normal(k1, (N_NODES, 3), dtype=jnp.float32) * 2.0
    edge_index = jax.random.randint(k2, (2, N_EDGES), 0, N_NODES, dtype=jnp.int32)
    # avoid self-loops so r_ij != 0 (normalize / norm are well-defined)
    src = edge_index[0]
    dest = jnp.where(edge_index[1] == src, (edge_index[1] + 1) % N_NODES, edge_index[1])
    edge_index = jnp.stack([src, dest], axis=0)
    return {"coords": coords, "edge_index": edge_index}


def reference(coords, edge_index):
    src = edge_index[0]
    dest = edge_index[1]
    r_ij = coords[dest] - coords[src]                      # gather + sub, [E, 3]
    d_ij = jnp.linalg.norm(r_ij, ord=2, axis=-1)           # [E]
    denom = jnp.maximum(jnp.linalg.norm(r_ij, ord=2, axis=-1, keepdims=True), 1e-12)
    r_ij_norm = r_ij / denom                               # F.normalize, [E, 3]
    scalar_feats = rbf_embed(d_ij)                         # [E, num_bases]
    vector_feats = r_ij_norm[..., None]                    # [E, 3, 1]
    return scalar_feats, vector_feats

if __name__ == "__main__":
    import jax
    _d = setup_inputs()
    print(jax.jit(kernel)(*tuple(_d.values())))

</pallas_src>

<mosaic_0001>
#map = affine_map<(d0, d1) -> (0, 0)>
#map1 = affine_map<(d0, d1) -> (0, 0, 0)>
module attributes {stable_mosaic.version = 14 : i64} {
  func.func @_sc_body(%arg0: i32, %arg1: i32, %arg2: memref<100000x16xf32, #tpu.memory_space<hbm>>, %arg3: memref<25000x128xi32, #tpu.memory_space<hbm>>, %arg4: memref<25000x128xi32, #tpu.memory_space<hbm>>, %arg5: memref<25000x128xf32, #tpu.memory_space<hbm>>, %arg6: memref<3x25000x128xf32, #tpu.memory_space<hbm>>, %arg7: memref<20x128xi32, #tpu.memory_space<vmem>>, %arg8: memref<20x128xi32, #tpu.memory_space<vmem>>, %arg9: memref<2560x16xf32, #tpu.memory_space<vmem>>, %arg10: memref<2560x16xf32, #tpu.memory_space<vmem>>, %arg11: memref<20x128xf32, #tpu.memory_space<vmem>>, %arg12: memref<3x20x128xf32, #tpu.memory_space<vmem>>, %arg13: memref<!tpu.dma_semaphore, #tpu.memory_space<semaphore_mem>>) attributes {dimension_semantics = [#tpu.dimension_semantics<core_parallel>, #tpu.dimension_semantics<subcore_parallel>], iteration_bounds = array<i64: 2, 16>, scalar_prefetch = 0 : i64, scratch_operands = 7 : i64, tpu.core_type = #tpu.core_type<sc_vector_subcore>, window_params = [{transform_indices = #map}, {transform_indices = #map}, {transform_indices = #map}, {transform_indices = #map}, {transform_indices = #map1}]} {
    %mul3A = arith.constant 2 : i32
    %mul3A_0 = arith.muli %arg1, %mul3A : i32
    %add3A = arith.addi %mul3A_0, %arg0 : i32
    %iota3A = tpu.iota {dimensions = array<i32: 0>} : vector<16xi32>
    %broadcast_in_dim3A = arith.constant 0 : i32
    %broadcast_in_dim3A_1 = vector.broadcast %broadcast_in_dim3A : i32 to vector<16xi32>
    %broadcast_in_dim3A_2 = arith.constant 1 : i32
    %broadcast_in_dim3A_3 = vector.broadcast %broadcast_in_dim3A_2 : i32 to vector<16xi32>
    %broadcast_in_dim3A_4 = arith.constant 2 : i32
    %broadcast_in_dim3A_5 = vector.broadcast %broadcast_in_dim3A_4 : i32 to vector<16xi32>
    %broadcast_in_dim3A_6 = arith.constant 127 : i32
    %broadcast_in_dim3A_7 = vector.broadcast %broadcast_in_dim3A_6 : i32 to vector<16xi32>
    %scan3A = arith.constant 0 : i32
    %scan3A_8 = arith.constant 40 : i32
    %scan3A_9 = arith.addi %scan3A, %scan3A_8 : i32
    %scan3A_10 = arith.constant 1 : i32
    scf.for %scan3A_12 = %scan3A to %scan3A_9 step %scan3A_10  : i32 {
      %mul3A_13 = arith.constant 1 : i32
      %mul3A_14 = arith.muli %scan3A_12, %mul3A_13 : i32
      %add3A_15 = arith.constant 0 : i32
      %add3A_16 = arith.addi %add3A_15, %mul3A_14 : i32
      %mul3A_17 = arith.constant 32 : i32
      %mul3A_18 = arith.muli %add3A_16, %mul3A_17 : i32
      %add3A_19 = arith.addi %add3A, %mul3A_18 : i32
      %lt3A = arith.constant 1250 : i32
      %lt3A_20 = arith.cmpi slt, %add3A_19, %lt3A : i32
      %convert_element_type3A = arith.extui %lt3A_20 : i1 to i32
      %cond3A = arith.constant 0 : i32
      %cond3A_21 = arith.cmpi ne, %convert_element_type3A, %cond3A : i32
      scf.if %cond3A_21 {
        %mul3A_22 = arith.constant 20 : i32
        %mul3A_23 = arith.muli %add3A_19, %mul3A_22 : i32
        "tpu.region"() ({
          %run_scoped3A_840 = tpu.sem_alloc : memref<!tpu.dma_semaphore, #tpu.memory_space<semaphore_mem>>
          %dma_start3A_841 = arith.constant 0 : i32
          %dma_start3A_842 = tpu.memref_slice %arg3[%mul3A_23, %dma_start3A_841] : memref<25000x128xi32, #tpu.memory_space<hbm>> -> memref<20x128xi32, #tpu.memory_space<hbm>>
          %dma_start3A_843 = arith.constant 0 : i32
          %dma_start3A_844 = tpu.memref_slice %arg3[%mul3A_23, %dma_start3A_843] : memref<25000x128xi32, #tpu.memory_space<hbm>> -> memref<20x128xi32, #tpu.memory_space<hbm>>
          tpu.enqueue_dma source(%dma_start3A_844 : memref<20x128xi32, #tpu.memory_space<hbm>>) target(%arg7 : memref<20x128xi32, #tpu.memory_space<vmem>>) target_semaphore(%run_scoped3A_840 : memref<!tpu.dma_semaphore, #tpu.memory_space<semaphore_mem>>)
          %dma_wait3A_845 = arith.constant 0 : i32
          %dma_wait3A_846 = tpu.memref_slice %arg3[%mul3A_23, %dma_wait3A_845] : memref<25000x128xi32, #tpu.memory_space<hbm>> -> memref<20x128xi32, #tpu.memory_space<hbm>>
          %dma_wait3A_847 = arith.constant 0 : i32
          %dma_wait3A_848 = tpu.memref_slice %arg3[%mul3A_23, %dma_wait3A_847] : memref<25000x128xi32, #tpu.memory_space<hbm>> -> memref<20x128xi32, #tpu.memory_space<hbm>>
          tpu.wait_dma2 semaphore(%run_scoped3A_840 : memref<!tpu.dma_semaphore, #tpu.memory_space<semaphore_mem>>) src(%dma_wait3A_848 : memref<20x128xi32, #tpu.memory_space<hbm>>) dst(%arg7 : memref<20x128xi32, #tpu.memory_space<vmem>>)
          tpu.yield
        }) : () -> ()
        "tpu.region"() ({
          %run_scoped3A_840 = tpu.sem_alloc : memref<!tpu.dma_semaphore, #tpu.memory_space<semaphore_mem>>
          %dma_start3A_841 = arith.constant 0 : i32
          %dma_start3A_842 = tpu.memref_slice %arg4[%mul3A_23, %dma_start3A_841] : memref<25000x128xi32, #tpu.memory_space<hbm>> -> memref<20x128xi32, #tpu.memory_space<hbm>>
          %dma_start3A_843 = arith.constant 0 : i32
          %dma_start3A_844 = tpu.memref_slice %arg4[%mul3A_23, %dma_start3A_843] : memref<25000x128xi32, #tpu.memory_space<hbm>> -> memref<20x128xi32, #tpu.memory_space<hbm>>
          tpu.enqueue_dma source(%dma_start3A_844 : memref<20x128xi32, #tpu.memory_space<hbm>>) target(%arg8 : memref<20x128xi32, #tpu.memory_space<vmem>>) target_semaphore(%run_scoped3A_840 : memref<!tpu.dma_semaphore, #tpu.memory_space<semaphore_mem>>)
          %dma_wait3A_845 = arith.constant 0 : i32
          %dma_wait3A_846 = tpu.memref_slice %arg4[%mul3A_23, %dma_wait3A_845] : memref<25000x128xi32, #tpu.memory_space<hbm>> -> memref<20x128xi32, #tpu.memory_space<hbm>>
          %dma_wait3A_847 = arith.constant 0 : i32
          %dma_wait3A_848 = tpu.memref_slice %arg4[%mul3A_23, %dma_wait3A_847] : memref<25000x128xi32, #tpu.memory_space<hbm>> -> memref<20x128xi32, #tpu.memory_space<hbm>>
          tpu.wait_dma2 semaphore(%run_scoped3A_840 : memref<!tpu.dma_semaphore, #tpu.memory_space<semaphore_mem>>) src(%dma_wait3A_848 : memref<20x128xi32, #tpu.memory_space<hbm>>) dst(%arg8 : memref<20x128xi32, #tpu.memory_space<vmem>>)
          tpu.yield
        }) : () -> ()
        %dma_start3A = arith.constant 0 : i32
        %dma_start3A_24 = arith.constant 0 : i32
        %dma_start3A_25 = arith.constant 0 : i32
        %dma_start3A_26 = tpu.memref_slice %arg9[%dma_start3A_24, %dma_start3A_25] : memref<2560x16xf32, #tpu.memory_space<vmem>> -> memref<128x16xf32, #tpu.memory_space<vmem>>
        %dma_start3A_27 = arith.constant 0 : i32
        %dma_start3A_28 = tpu.memref_slice %arg7[%dma_start3A, %dma_start3A_27] : memref<20x128xi32, #tpu.memory_space<vmem>> -> memref<1x128xi32, #tpu.memory_space<vmem>>
        %dma_start3A_29 = tpu.memref_squeeze %dma_start3A_28 : memref<1x128xi32, #tpu.memory_space<vmem>> -> memref<128xi32, #tpu.memory_space<vmem>>
        %dma_start3A_30 = arith.constant 0 : i32
        %dma_start3A_31 = arith.constant 0 : i32
        %dma_start3A_32 = tpu.memref_slice %arg2[%dma_start3A_30, %dma_start3A_31] : memref<100000x16xf32, #tpu.memory_space<hbm>> -> memref<100000x16xf32, #tpu.memory_space<hbm>>
        tpu.enqueue_indirect_dma source(%dma_start3A_32 : memref<100000x16xf32, #tpu.memory_space<hbm>>) target(%dma_start3A_26 : memref<128x16xf32, #tpu.memory_space<vmem>>) offsets(%dma_start3A_29 : memref<128xi32, #tpu.memory_space<vmem>>) semaphore(%arg13 : memref<!tpu.dma_semaphore, #tpu.memory_space<semaphore_mem>>)
        %dma_start3A_33 = arith.constant 0 : i32
        %dma_start3A_34 = arith.constant 0 : i32
        %dma_start3A_35 = arith.constant 0 : i32
        %dma_start3A_36 = tpu.memref_slice %arg10[%dma_start3A_34, %dma_start3A_35] : memref<2560x16xf32, #tpu.memory_space<vmem>> -> memref<128x16xf32, #tpu.memory_space<vmem>>
        %dma_start3A_37 = arith.constant 0 : i32
        %dma_start3A_38 = tpu.memref_slice %arg8[%dma_start3A_33, %dma_start3A_37] : memref<20x128xi32, #tpu.memory_space<vmem>> -> memref<1x128xi32, #tpu.memory_space<vmem>>
        %dma_start3A_39 = tpu.memref_squeeze %dma_start3A_38 : memref<1x128xi32, #tpu.memory_space<vmem>> -> memref<128xi32, #tpu.memory_space<vmem>>
        %dma_start3A_40 = arith.constant 0 : i32
        %dma_start3A_41 = arith.constant 0 : i32
        %dma_start3A_42 = tpu.memref_slice %arg2[%dma_start3A_40, %dma_start3A_41] : memref<100000x16xf32, #tpu.memory_space<hbm>> -> memref<100000x16xf32, #tpu.memory_space<hbm>>
        tpu.enqueue_indirect_dma source(%dma_start3A_42 : memref<100000x16xf32, #tpu.memory_space<hbm>>) target(%dma_start3A_36 : memref<128x16xf32, #tpu.memory_space<vmem>>) offsets(%dma_start3A_39 : memref<128xi32, #tpu.memory_space<vmem>>) semaphore(%arg13 : memref<!tpu.dma_semaphore, #tpu.memory_space<semaphore_mem>>)
        %dma_start3A_43 = arith.constant 1 : i32
        %dma_start3A_44 = arith.constant 128 : i32
        %dma_start3A_45 = arith.constant 0 : i32
        %dma_start3A_46 = tpu.memref_slice %arg9[%dma_start3A_44, %dma_start3A_45] : memref<2560x16xf32, #tpu.memory_space<vmem>> -> memref<128x16xf32, #tpu.memory_space<vmem>>
        %dma_start3A_47 = arith.constant 0 : i32
        %dma_start3A_48 = tpu.memref_slice %arg7[%dma_start3A_43, %dma_start3A_47] : memref<20x128xi32, #tpu.memory_space<vmem>> -> memref<1x128xi32, #tpu.memory_space<vmem>>
        %dma_start3A_49 = tpu.memref_squeeze %dma_start3A_48 : memref<1x128xi32, #tpu.memory_space<vmem>> -> memref<128xi32, #tpu.memory_space<vmem>>
        %dma_start3A_50 = arith.constant 0 : i32
        %dma_start3A_51 = arith.constant 0 : i32
        %dma_start3A_52 = tpu.memref_slice %arg2[%dma_start3A_50, %dma_start3A_51] : memref<100000x16xf32, #tpu.memory_space<hbm>> -> memref<100000x16xf32, #tpu.memory_space<hbm>>
        tpu.enqueue_indirect_dma source(%dma_start3A_52 : memref<100000x16xf32, #tpu.memory_space<hbm>>) target(%dma_start3A_46 : memref<128x16xf32, #tpu.memory_space<vmem>>) offsets(%dma_start3A_49 : memref<128xi32, #tpu.memory_space<vmem>>) semaphore(%arg13 : memref<!tpu.dma_semaphore, #tpu.memory_space<semaphore_mem>>)
        %dma_start3A_53 = arith.constant 1 : i32
        %dma_start3A_54 = arith.constant 128 : i32
        %dma_start3A_55 = arith.constant 0 : i32
        %dma_start3A_56 = tpu.memref_slice %arg10[%dma_start3A_54, %dma_start3A_55] : memref<2560x16xf32, #tpu.memory_space<vmem>> -> memref<128x16xf32, #tpu.memory_space<vmem>>
        %dma_start3A_57 = arith.constant 0 : i32
        %dma_start3A_58 = tpu.memref_slice %arg8[%dma_start3A_53, %dma_start3A_57] : memref<20x128xi32, #tpu.memory_space<vmem>> -> memref<1x128xi32, #tpu.memory_space<vmem>>
        %dma_start3A_59 = tpu.memref_squeeze %dma_start3A_58 : memref<1x128xi32, #tpu.memory_space<vmem>> -> memref<128xi32, #tpu.memory_space<vmem>>
        %dma_start3A_60 = arith.constant 0 : i32
        %dma_start3A_61 = arith.constant 0 : i32
        %dma_start3A_62 = tpu.memref_slice %arg2[%dma_start3A_60, %dma_start3A_61] : memref<100000x16xf32, #tpu.memory_space<hbm>> -> memref<100000x16xf32, #tpu.memory_space<hbm>>
        tpu.enqueue_indirect_dma source(%dma_start3A_62 : memref<100000x16xf32, #tpu.memory_space<hbm>>) target(%dma_start3A_56 : memref<128x16xf32, #tpu.memory_space<vmem>>) offsets(%dma_start3A_59 : memref<128xi32, #tpu.memory_space<vmem>>) semaphore(%arg13 : memref<!tpu.dma_semaphore, #tpu.memory_space<semaphore_mem>>)
        %dma_start3A_63 = arith.constant 2 : i32
        %dma_start3A_64 = arith.constant 256 : i32
        %dma_start3A_65 = arith.constant 0 : i32
        %dma_start3A_66 = tpu.memref_slice %arg9[%dma_start3A_64, %dma_start3A_65] : memref<2560x16xf32, #tpu.memory_space<vmem>> -> memref<128x16xf32, #tpu.memory_space<vmem>>
        %dma_start3A_67 = arith.constant 0 : i32
        %dma_start3A_68 = tpu.memref_slice %arg7[%dma_start3A_63, %dma_start3A_67] : memref<20x128xi32, #tpu.memory_space<vmem>> -> memref<1x128xi32, #tpu.memory_space<vmem>>
        %dma_start3A_69 = tpu.memref_squeeze %dma_start3A_68 : memref<1x128xi32, #tpu.memory_space<vmem>> -> memref<128xi32, #tpu.memory_space<vmem>>
        %dma_start3A_70 = arith.constant 0 : i32
        %dma_start3A_71 = arith.constant 0 : i32
        %dma_start3A_72 = tpu.memref_slice %arg2[%dma_start3A_70, %dma_start3A_71] : memref<100000x16xf32, #tpu.memory_space<hbm>> -> memref<100000x16xf32, #tpu.memory_space<hbm>>
        tpu.enqueue_indirect_dma source(%dma_start3A_72 : memref<100000x16xf32, #tpu.memory_space<hbm>>) target(%dma_start3A_66 : memref<128x16xf32, #tpu.memory_space<vmem>>) offsets(%dma_start3A_69 : memref<128xi32, #tpu.memory_space<vmem>>) semaphore(%arg13 : memref<!tpu.dma_semaphore, #tpu.memory_space<semaphore_mem>>)
        %dma_start3A_73 = arith.constant 2 : i32
        %dma_start3A_74 = arith.constant 256 : i32
        %dma_start3A_75 = arith.constant 0 : i32
        %dma_start3A_76 = tpu.memref_slice %arg10[%dma_start3A_74, %dma_start3A_75] : memref<2560x16xf32, #tpu.memory_space<vmem>> -> memref<128x16xf32, #tpu.memory_space<vmem>>
        %dma_start3A_77 = arith.constant 0 : i32
        %dma_start3A_78 = tpu.memref_slice %arg8[%dma_start3A_73, %dma_start3A_77] : memref<20x128xi32, #tpu.memory_space<vmem>> -> memref<1x128xi32, #tpu.memory_space<vmem>>
        %dma_start3A_79 = tpu.memref_squeeze %dma_start3A_78 : memref<1x128xi32, #tpu.memory_space<vmem>> -> memref<128xi32, #tpu.memory_space<vmem>>
        %dma_start3A_80 = arith.constant 0 : i32
        %dma_start3A_81 = arith.constant 0 : i32
        %dma_start3A_82 = tpu.memref_slice %arg2[%dma_start3A_80, %dma_start3A_81] : memref<100000x16xf32, #tpu.memory_space<hbm>> -> memref<100000x16xf32, #tpu.memory_space<hbm>>
        tpu.enqueue_indirect_dma source(%dma_start3A_82 : memref<100000x16xf32, #tpu.memory_space<hbm>>) target(%dma_start3A_76 : memref<128x16xf32, #tpu.memory_space<vmem>>) offsets(%dma_start3A_79 : memref<128xi32, #tpu.memory_space<vmem>>) semaphore(%arg13 : memref<!tpu.dma_semaphore, #tpu.memory_space<semaphore_mem>>)
        %dma_start3A_83 = arith.constant 3 : i32
        %dma_start3A_84 = arith.constant 384 : i32
        %dma_start3A_85 = arith.constant 0 : i32
        %dma_start3A_86 = tpu.memref_slice %arg9[%dma_start3A_84, %dma_start3A_85] : memref<2560x16xf32, #tpu.memory_space<vmem>> -> memref<128x16xf32, #tpu.memory_space<vmem>>
        %dma_start3A_87 = arith.constant 0 : i32
        %dma_start3A_88 = tpu.memref_slice %arg7[%dma_start3A_83, %dma_start3A_87] : memref<20x128xi32, #tpu.memory_space<vmem>> -> memref<1x128xi32, #tpu.memory_space<vmem>>
        %dma_start3A_89 = tpu.memref_squeeze %dma_start3A_88 : memref<1x128xi32, #tpu.memory_space<vmem>> -> memref<128xi32, #tpu.memory_space<vmem>>
        %dma_start3A_90 = arith.constant 0 : i32
        %dma_start3A_91 = arith.constant 0 : i32
        %dma_start3A_92 = tpu.memref_slice %arg2[%dma_start3A_90, %dma_start3A_91] : memref<100000x16xf32, #tpu.memory_space<hbm>> -> memref<100000x16xf32, #tpu.memory_space<hbm>>
        tpu.enqueue_indirect_dma source(%dma_start3A_92 : memref<100000x16xf32, #tpu.memory_space<hbm>>) target(%dma_start3A_86 : memref<128x16xf32, #tpu.memory_space<vmem>>) offsets(%dma_start3A_89 : memref<128xi32, #tpu.memory_space<vmem>>) semaphore(%arg13 : memref<!tpu.dma_semaphore, #tpu.memory_space<semaphore_mem>>)
        %dma_start3A_93 = arith.constant 3 : i32
        %dma_start3A_94 = arith.constant 384 : i32
        %dma_start3A_95 = arith.constant 0 : i32
        %dma_start3A_96 = tpu.memref_slice %arg10[%dma_start3A_94, %dma_start3A_95] : memref<2560x16xf32, #tpu.memory_space<vmem>> -> memref<128x16xf32, #tpu.memory_space<vmem>>
        %dma_start3A_97 = arith.constant 0 : i32
        %dma_start3A_98 = tpu.memref_slice %arg8[%dma_start3A_93, %dma_start3A_97] : memref<20x128xi32, #tpu.memory_space<vmem>> -> memref<1x128xi32, #tpu.memory_space<vmem>>
        %dma_start3A_99 = tpu.memref_squeeze %dma_start3A_98 : memref<1x128xi32, #tpu.memory_space<vmem>> -> memref<128xi32, #tpu.memory_space<vmem>>
        %dma_start3A_100 = arith.constant 0 : i32
        %dma_start3A_101 = arith.constant 0 : i32
        %dma_start3A_102 = tpu.memref_slice %arg2[%dma_start3A_100, %dma_start3A_101] : memref<100000x16xf32, #tpu.memory_space<hbm>> -> memref<100000x16xf32, #tpu.memory_space<hbm>>
        tpu.enqueue_indirect_dma source(%dma_start3A_102 : memref<100000x16xf32, #tpu.memory_space<hbm>>) target(%dma_start3A_96 : memref<128x16xf32, #tpu.memory_space<vmem>>) offsets(%dma_start3A_99 : memref<128xi32, #tpu.memory_space<vmem>>) semaphore(%arg13 : memref<!tpu.dma_semaphore, #tpu.memory_space<semaphore_mem>>)
        %dma_start3A_103 = arith.constant 4 : i32
        %dma_start3A_104 = arith.constant 512 : i32
        %dma_start3A_105 = arith.constant 0 : i32
        %dma_start3A_106 = tpu.memref_slice %arg9[%dma_start3A_104, %dma_start3A_105] : memref<2560x16xf32, #tpu.memory_space<vmem>> -> memref<128x16xf32, #tpu.memory_space<vmem>>
        %dma_start3A_107 = arith.constant 0 : i32
        %dma_start3A_108 = tpu.memref_slice %arg7[%dma_start3A_103, %dma_start3A_107] : memref<20x128xi32, #tpu.memory_space<vmem>> -> memref<1x128xi32, #tpu.memory_space<vmem>>
        %dma_start3A_109 = tpu.memref_squeeze %dma_start3A_108 : memref<1x128xi32, #tpu.memory_space<vmem>> -> memref<128xi32, #tpu.memory_space<vmem>>
        %dma_start3A_110 = arith.constant 0 : i32
        %dma_start3A_111 = arith.constant 0 : i32
        %dma_start3A_112 = tpu.memref_slice %arg2[%dma_start3A_110, %dma_start3A_111] : memref<100000x16xf32, #tpu.memory_space<hbm>> -> memref<100000x16xf32, #tpu.memory_space<hbm>>
        tpu.enqueue_indirect_dma source(%dma_start3A_112 : memref<100000x16xf32, #tpu.memory_space<hbm>>) target(%dma_start3A_106 : memref<128x16xf32, #tpu.memory_space<vmem>>) offsets(%dma_start3A_109 : memref<128xi32, #tpu.memory_space<vmem>>) semaphore(%arg13 : memref<!tpu.dma_semaphore, #tpu.memory_space<semaphore_mem>>)
        %dma_start3A_113 = arith.constant 4 : i32
        %dma_start3A_114 = arith.constant 512 : i32
        %dma_start3A_115 = arith.constant 0 : i32
        %dma_start3A_116 = tpu.memref_slice %arg10[%dma_start3A_114, %dma_start3A_115] : memref<2560x16xf32, #tpu.memory_space<vmem>> -> memref<128x16xf32, #tpu.memory_space<vmem>>
        %dma_start3A_117 = arith.constant 0 : i32
        %dma_start3A_118 = tpu.memref_slice %arg8[%dma_start3A_113, %dma_start3A_117] : memref<20x128xi32, #tpu.memory_space<vmem>> -> memref<1x128xi32, #tpu.memory_space<vmem>>
        %dma_start3A_119 = tpu.memref_squeeze %dma_start3A_118 : memref<1x128xi32, #tpu.memory_space<vmem>> -> memref<128xi32, #tpu.memory_space<vmem>>
        %dma_start3A_120 = arith.constant 0 : i32
        %dma_start3A_121 = arith.constant 0 : i32
        %dma_start3A_122 = tpu.memref_slice %arg2[%dma_start3A_120, %dma_start3A_121] : memref<100000x16xf32, #tpu.memory_space<hbm>> -> memref<100000x16xf32, #tpu.memory_space<hbm>>
        tpu.enqueue_indirect_dma source(%dma_start3A_122 : memref<100000x16xf32, #tpu.memory_space<hbm>>) target(%dma_start3A_116 : memref<128x16xf32, #tpu.memory_space<vmem>>) offsets(%dma_start3A_119 : memref<128xi32, #tpu.memory_space<vmem>>) semaphore(%arg13 : memref<!tpu.dma_semaphore, #tpu.memory_space<semaphore_mem>>)
        %dma_start3A_123 = arith.constant 5 : i32
        %dma_start3A_124 = arith.constant 640 : i32
        %dma_start3A_125 = arith.constant 0 : i32
        %dma_start3A_126 = tpu.memref_slice %arg9[%dma_start3A_124, %dma_start3A_125] : memref<2560x16xf32, #tpu.memory_space<vmem>> -> memref<128x16xf32, #tpu.memory_space<vmem>>
        %dma_start3A_127 = arith.constant 0 : i32
        %dma_start3A_128 = tpu.memref_slice %arg7[%dma_start3A_123, %dma_start3A_127] : memref<20x128xi32, #tpu.memory_space<vmem>> -> memref<1x128xi32, #tpu.memory_space<vmem>>
        %dma_start3A_129 = tpu.memref_squeeze %dma_start3A_128 : memref<1x128xi32, #tpu.memory_space<vmem>> -> memref<128xi32, #tpu.memory_space<vmem>>
        %dma_start3A_130 = arith.constant 0 : i32
        %dma_start3A_131 = arith.constant 0 : i32
        %dma_start3A_132 = tpu.memref_slice %arg2[%dma_start3A_130, %dma_start3A_131] : memref<100000x16xf32, #tpu.memory_space<hbm>> -> memref<100000x16xf32, #tpu.memory_space<hbm>>
        tpu.enqueue_indirect_dma source(%dma_start3A_132 : memref<100000x16xf32, #tpu.memory_space<hbm>>) target(%dma_start3A_126 : memref<128x16xf32, #tpu.memory_space<vmem>>) offsets(%dma_start3A_129 : memref<128xi32, #tpu.memory_space<vmem>>) semaphore(%arg13 : memref<!tpu.dma_semaphore, #tpu.memory_space<semaphore_mem>>)
        %dma_start3A_133 = arith.constant 5 : i32
        %dma_start3A_134 = arith.constant 640 : i32
        %dma_start3A_135 = arith.constant 0 : i32
        %dma_start3A_136 = tpu.memref_slice %arg10[%dma_start3A_134, %dma_start3A_135] : memref<2560x16xf32, #tpu.memory_space<vmem>> -> memref<128x16xf32, #tpu.memory_space<vmem>>
        %dma_start3A_137 = arith.constant 0 : i32
        %dma_start3A_138 = tpu.memref_slice %arg8[%dma_start3A_133, %dma_start3A_137] : memref<20x128xi32, #tpu.memory_space<vmem>> -> memref<1x128xi32, #tpu.memory_space<vmem>>
        %dma_start3A_139 = tpu.memref_squeeze %dma_start3A_138 : memref<1x128xi32, #tpu.memory_space<vmem>> -> memref<128xi32, #tpu.memory_space<vmem>>
        %dma_start3A_140 = arith.constant 0 : i32
        %dma_start3A_141 = arith.constant 0 : i32
        %dma_start3A_142 = tpu.memref_slice %arg2[%dma_start3A_140, %dma_start3A_141] : memref<100000x16xf32, #tpu.memory_space<hbm>> -> memref<100000x16xf32, #tpu.memory_space<hbm>>
        tpu.enqueue_indirect_dma source(%dma_start3A_142 : memref<100000x16xf32, #tpu.memory_space<hbm>>) target(%dma_start3A_136 : memref<128x16xf32, #tpu.memory_space<vmem>>) offsets(%dma_start3A_139 : memref<128xi32, #tpu.memory_space<vmem>>) semaphore(%arg13 : memref<!tpu.dma_semaphore, #tpu.memory_space<semaphore_mem>>)
        %dma_start3A_143 = arith.constant 6 : i32
        %dma_start3A_144 = arith.constant 768 : i32
        %dma_start3A_145 = arith.constant 0 : i32
        %dma_start3A_146 = tpu.memref_slice %arg9[%dma_start3A_144, %dma_start3A_145] : memref<2560x16xf32, #tpu.memory_space<vmem>> -> memref<128x16xf32, #tpu.memory_space<vmem>>
        %dma_start3A_147 = arith.constant 0 : i32
        %dma_start3A_148 = tpu.memref_slice %arg7[%dma_start3A_143, %dma_start3A_147] : memref<20x128xi32, #tpu.memory_space<vmem>> -> memref<1x128xi32, #tpu.memory_space<vmem>>
        %dma_start3A_149 = tpu.memref_squeeze %dma_start3A_148 : memref<1x128xi32, #tpu.memory_space<vmem>> -> memref<128xi32, #tpu.memory_space<vmem>>
        %dma_start3A_150 = arith.constant 0 : i32
        %dma_start3A_151 = arith.constant 0 : i32
        %dma_start3A_152 = tpu.memref_slice %arg2[%dma_start3A_150, %dma_start3A_151] : memref<100000x16xf32, #tpu.memory_space<hbm>> -> memref<100000x16xf32, #tpu.memory_space<hbm>>
        tpu.enqueue_indirect_dma source(%dma_start3A_152 : memref<100000x16xf32, #tpu.memory_space<hbm>>) target(%dma_start3A_146 : memref<128x16xf32, #tpu.memory_space<vmem>>) offsets(%dma_start3A_149 : memref<128xi32, #tpu.memory_space<vmem>>) semaphore(%arg13 : memref<!tpu.dma_semaphore, #tpu.memory_space<semaphore_mem>>)
        %dma_start3A_153 = arith.constant 6 : i32
        %dma_start3A_154 = arith.constant 768 : i32
        %dma_start3A_155 = arith.constant 0 : i32
        %dma_start3A_156 = tpu.memref_slice %arg10[%dma_start3A_154, %dma_start3A_155] : memref<2560x16xf32, #tpu.memory_space<vmem>> -> memref<128x16xf32, #tpu.memory_space<vmem>>
        %dma_start3A_157 = arith.constant 0 : i32
        %dma_start3A_158 = tpu.memref_slice %arg8[%dma_start3A_153, %dma_start3A_157] : memref<20x128xi32, #tpu.memory_space<vmem>> -> memref<1x128xi32, #tpu.memory_space<vmem>>
        %dma_start3A_159 = tpu.memref_squeeze %dma_start3A_158 : memref<1x128xi32, #tpu.memory_space<vmem>> -> memref<128xi32, #tpu.memory_space<vmem>>
        %dma_start3A_160 = arith.constant 0 : i32
        %dma_start3A_161 = arith.constant 0 : i32
        %dma_start3A_162 = tpu.memref_slice %arg2[%dma_start3A_160, %dma_start3A_161] : memref<100000x16xf32, #tpu.memory_space<hbm>> -> memref<100000x16xf32, #tpu.memory_space<hbm>>
        tpu.enqueue_indirect_dma source(%dma_start3A_162 : memref<100000x16xf32, #tpu.memory_space<hbm>>) target(%dma_start3A_156 : memref<128x16xf32, #tpu.memory_space<vmem>>) offsets(%dma_start3A_159 : memref<128xi32, #tpu.memory_space<vmem>>) semaphore(%arg13 : memref<!tpu.dma_semaphore, #tpu.memory_space<semaphore_mem>>)
        %dma_start3A_163 = arith.constant 7 : i32
        %dma_start3A_164 = arith.constant 896 : i32
        %dma_start3A_165 = arith.constant 0 : i32
        %dma_start3A_166 = tpu.memref_slice %arg9[%dma_start3A_164, %dma_start3A_165] : memref<2560x16xf32, #tpu.memory_space<vmem>> -> memref<128x16xf32, #tpu.memory_space<vmem>>
        %dma_start3A_167 = arith.constant 0 : i32
        %dma_start3A_168 = tpu.memref_slice %arg7[%dma_start3A_163, %dma_start3A_167] : memref<20x128xi32, #tpu.memory_space<vmem>> -> memref<1x128xi32, #tpu.memory_space<vmem>>
        %dma_start3A_169 = tpu.memref_squeeze %dma_start3A_168 : memref<1x128xi32, #tpu.memory_space<vmem>> -> memref<128xi32, #tpu.memory_space<vmem>>
        %dma_start3A_170 = arith.constant 0 : i32
        %dma_start3A_171 = arith.constant 0 : i32
        %dma_start3A_172 = tpu.memref_slice %arg2[%dma_start3A_170, %dma_start3A_171] : memref<100000x16xf32, #tpu.memory_space<hbm>> -> memref<100000x16xf32, #tpu.memory_space<hbm>>
        tpu.enqueue_indirect_dma source(%dma_start3A_172 : memref<100000x16xf32, #tpu.memory_space<hbm>>) target(%dma_start3A_166 : memref<128x16xf32, #tpu.memory_space<vmem>>) offsets(%dma_start3A_169 : memref<128xi32, #tpu.memory_space<vmem>>) semaphore(%arg13 : memref<!tpu.dma_semaphore, #tpu.memory_space<semaphore_mem>>)
        %dma_start3A_173 = arith.constant 7 : i32
        %dma_start3A_174 = arith.constant 896 : i32
        %dma_start3A_175 = arith.constant 0 : i32
        %dma_start3A_176 = tpu.memref_slice %arg10[%dma_start3A_174, %dma_start3A_175] : memref<2560x16xf32, #tpu.memory_space<vmem>> -> memref<128x16xf32, #tpu.memory_space<vmem>>
        %dma_start3A_177 = arith.constant 0 : i32
        %dma_start3A_178 = tpu.memref_slice %arg8[%dma_start3A_173, %dma_start3A_177] : memref<20x128xi32, #tpu.memory_space<vmem>> -> memref<1x128xi32, #tpu.memory_space<vmem>>
        %dma_start3A_179 = tpu.memref_squeeze %dma_start3A_178 : memref<1x128xi32, #tpu.memory_space<vmem>> -> memref<128xi32, #tpu.memory_space<vmem>>
        %dma_start3A_180 = arith.constant 0 : i32
        %dma_start3A_181 = arith.constant 0 : i32
        %dma_start3A_182 = tpu.memref_slice %arg2[%dma_start3A_180, %dma_start3A_181] : memref<100000x16xf32, #tpu.memory_space<hbm>> -> memref<100000x16xf32, #tpu.memory_space<hbm>>
        tpu.enqueue_indirect_dma source(%dma_start3A_182 : memref<100000x16xf32, #tpu.memory_space<hbm>>) target(%dma_start3A_176 : memref<128x16xf32, #tpu.memory_space<vmem>>) offsets(%dma_start3A_179 : memref<128xi32, #tpu.memory_space<vmem>>) semaphore(%arg13 : memref<!tpu.dma_semaphore, #tpu.memory_space<semaphore_mem>>)
        %dma_start3A_183 = arith.constant 8 : i32
        %dma_start3A_184 = arith.constant 1024 : i32
        %dma_start3A_185 = arith.constant 0 : i32
        %dma_start3A_186 = tpu.memref_slice %arg9[%dma_start3A_184, %dma_start3A_185] : memref<2560x16xf32, #tpu.memory_space<vmem>> -> memref<128x16xf32, #tpu.memory_space<vmem>>
        %dma_start3A_187 = arith.constant 0 : i32
        %dma_start3A_188 = tpu.memref_slice %arg7[%dma_start3A_183, %dma_start3A_187] : memref<20x128xi32, #tpu.memory_space<vmem>> -> memref<1x128xi32, #tpu.memory_space<vmem>>
        %dma_start3A_189 = tpu.memref_squeeze %dma_start3A_188 : memref<1x128xi32, #tpu.memory_space<vmem>> -> memref<128xi32, #tpu.memory_space<vmem>>
        %dma_start3A_190 = arith.constant 0 : i32
        %dma_start3A_191 = arith.constant 0 : i32
        %dma_start3A_192 = tpu.memref_slice %arg2[%dma_start3A_190, %dma_start3A_191] : memref<100000x16xf32, #tpu.memory_space<hbm>> -> memref<100000x16xf32, #tpu.memory_space<hbm>>
        tpu.enqueue_indirect_dma source(%dma_start3A_192 : memref<100000x16xf32, #tpu.memory_space<hbm>>) target(%dma_start3A_186 : memref<128x16xf32, #tpu.memory_space<vmem>>) offsets(%dma_start3A_189 : memref<128xi32, #tpu.memory_space<vmem>>) semaphore(%arg13 : memref<!tpu.dma_semaphore, #tpu.memory_space<semaphore_mem>>)
        %dma_start3A_193 = arith.constant 8 : i32
        %dma_start3A_194 = arith.constant 1024 : i32
        %dma_start3A_195 = arith.constant 0 : i32
        %dma_start3A_196 = tpu.memref_slice %arg10[%dma_start3A_194, %dma_start3A_195] : memref<2560x16xf32, #tpu.memory_space<vmem>> -> memref<128x16xf32, #tpu.memory_space<vmem>>
        %dma_start3A_197 = arith.constant 0 : i32
        %dma_start3A_198 = tpu.memref_slice %arg8[%dma_start3A_193, %dma_start3A_197] : memref<20x128xi32, #tpu.memory_space<vmem>> -> memref<1x128xi32, #tpu.memory_space<vmem>>
        %dma_start3A_199 = tpu.memref_squeeze %dma_start3A_198 : memref<1x128xi32, #tpu.memory_space<vmem>> -> memref<128xi32, #tpu.memory_space<vmem>>
        %dma_start3A_200 = arith.constant 0 : i32
        %dma_start3A_201 = arith.constant 0 : i32
        %dma_start3A_202 = tpu.memref_slice %arg2[%dma_start3A_200, %dma_start3A_201] : memref<100000x16xf32, #tpu.memory_space<hbm>> -> memref<100000x16xf32, #tpu.memory_space<hbm>>
        tpu.enqueue_indirect_dma source(%dma_start3A_202 : memref<100000x16xf32, #tpu.memory_space<hbm>>) target(%dma_start3A_196 : memref<128x16xf32, #tpu.memory_space<vmem>>) offsets(%dma_start3A_199 : memref<128xi32, #tpu.memory_space<vmem>>) semaphore(%arg13 : memref<!tpu.dma_semaphore, #tpu.memory_space<semaphore_mem>>)
        %dma_start3A_203 = arith.constant 9 : i32
        %dma_start3A_204 = arith.constant 1152 : i32
        %dma_start3A_205 = arith.constant 0 : i32
        %dma_start3A_206 = tpu.memref_slice %arg9[%dma_start3A_204, %dma_start3A_205] : memref<2560x16xf32, #tpu.memory_space<vmem>> -> memref<128x16xf32, #tpu.memory_space<vmem>>
        %dma_start3A_207 = arith.constant 0 : i32
        %dma_start3A_208 = tpu.memref_slice %arg7[%dma_start3A_203, %dma_start3A_207] : memref<20x128xi32, #tpu.memory_space<vmem>> -> memref<1x128xi32, #tpu.memory_space<vmem>>
        %dma_start3A_209 = tpu.memref_squeeze %dma_start3A_208 : memref<1x128xi32, #tpu.memory_space<vmem>> -> memref<128xi32, #tpu.memory_space<vmem>>
        %dma_start3A_210 = arith.constant 0 : i32
        %dma_start3A_211 = arith.constant 0 : i32
        %dma_start3A_212 = tpu.memref_slice %arg2[%dma_start3A_210, %dma_start3A_211] : memref<100000x16xf32, #tpu.memory_space<hbm>> -> memref<100000x16xf32, #tpu.memory_space<hbm>>
        tpu.enqueue_indirect_dma source(%dma_start3A_212 : memref<100000x16xf32, #tpu.memory_space<hbm>>) target(%dma_start3A_206 : memref<128x16xf32, #tpu.memory_space<vmem>>) offsets(%dma_start3A_209 : memref<128xi32, #tpu.memory_space<vmem>>) semaphore(%arg13 : memref<!tpu.dma_semaphore, #tpu.memory_space<semaphore_mem>>)
        %dma_start3A_213 = arith.constant 9 : i32
        %dma_start3A_214 = arith.constant 1152 : i32
        %dma_start3A_215 = arith.constant 0 : i32
        %dma_start3A_216 = tpu.memref_slice %arg10[%dma_start3A_214, %dma_start3A_215] : memref<2560x16xf32, #tpu.memory_space<vmem>> -> memref<128x16xf32, #tpu.memory_space<vmem>>
        %dma_start3A_217 = arith.constant 0 : i32
        %dma_start3A_218 = tpu.memref_slice %arg8[%dma_start3A_213, %dma_start3A_217] : memref<20x128xi32, #tpu.memory_space<vmem>> -> memref<1x128xi32, #tpu.memory_space<vmem>>
        %dma_start3A_219 = tpu.memref_squeeze %dma_start3A_218 : memref<1x128xi32, #tpu.memory_space<vmem>> -> memref<128xi32, #tpu.memory_space<vmem>>
        %dma_start3A_220 = arith.constant 0 : i32
        %dma_start3A_221 = arith.constant 0 : i32
        %dma_start3A_222 = tpu.memref_slice %arg2[%dma_start3A_220, %dma_start3A_221] : memref<100000x16xf32, #tpu.memory_space<hbm>> -> memref<100000x16xf32, #tpu.memory_space<hbm>>
        tpu.enqueue_indirect_dma source(%dma_start3A_222 : memref<100000x16xf32, #tpu.memory_space<hbm>>) target(%dma_start3A_216 : memref<128x16xf32, #tpu.memory_space<vmem>>) offsets(%dma_start3A_219 : memref<128xi32, #tpu.memory_space<vmem>>) semaphore(%arg13 : memref<!tpu.dma_semaphore, #tpu.memory_space<semaphore_mem>>)
        %dma_start3A_223 = arith.constant 10 : i32
        %dma_start3A_224 = arith.constant 1280 : i32
        %dma_start3A_225 = arith.constant 0 : i32
        %dma_start3A_226 = tpu.memref_slice %arg9[%dma_start3A_224, %dma_start3A_225] : memref<2560x16xf32, #tpu.memory_space<vmem>> -> memref<128x16xf32, #tpu.memory_space<vmem>>
        %dma_start3A_227 = arith.constant 0 : i32
        %dma_start3A_228 = tpu.memref_slice %arg7[%dma_start3A_223, %dma_start3A_227] : memref<20x128xi32, #tpu.memory_space<vmem>> -> memref<1x128xi32, #tpu.memory_space<vmem>>
        %dma_start3A_229 = tpu.memref_squeeze %dma_start3A_228 : memref<1x128xi32, #tpu.memory_space<vmem>> -> memref<128xi32, #tpu.memory_space<vmem>>
        %dma_start3A_230 = arith.constant 0 : i32
        %dma_start3A_231 = arith.constant 0 : i32
        %dma_start3A_232 = tpu.memref_slice %arg2[%dma_start3A_230, %dma_start3A_231] : memref<100000x16xf32, #tpu.memory_space<hbm>> -> memref<100000x16xf32, #tpu.memory_space<hbm>>
        tpu.enqueue_indirect_dma source(%dma_start3A_232 : memref<100000x16xf32, #tpu.memory_space<hbm>>) target(%dma_start3A_226 : memref<128x16xf32, #tpu.memory_space<vmem>>) offsets(%dma_start3A_229 : memref<128xi32, #tpu.memory_space<vmem>>) semaphore(%arg13 : memref<!tpu.dma_semaphore, #tpu.memory_space<semaphore_mem>>)
        %dma_start3A_233 = arith.constant 10 : i32
        %dma_start3A_234 = arith.constant 1280 : i32
        %dma_start3A_235 = arith.constant 0 : i32
        %dma_start3A_236 = tpu.memref_slice %arg10[%dma_start3A_234, %dma_start3A_235] : memref<2560x16xf32, #tpu.memory_space<vmem>> -> memref<128x16xf32, #tpu.memory_space<vmem>>
        %dma_start3A_237 = arith.constant 0 : i32
        %dma_start3A_238 = tpu.memref_slice %arg8[%dma_start3A_233, %dma_start3A_237] : memref<20x128xi32, #tpu.memory_space<vmem>> -> memref<1x128xi32, #tpu.memory_space<vmem>>
        %dma_start3A_239 = tpu.memref_squeeze %dma_start3A_238 : memref<1x128xi32, #tpu.memory_space<vmem>> -> memref<128xi32, #tpu.memory_space<vmem>>
        %dma_start3A_240 = arith.constant 0 : i32
        %dma_start3A_241 = arith.constant 0 : i32
        %dma_start3A_242 = tpu.memref_slice %arg2[%dma_start3A_240, %dma_start3A_241] : memref<100000x16xf32, #tpu.memory_space<hbm>> -> memref<100000x16xf32, #tpu.memory_space<hbm>>
        tpu.enqueue_indirect_dma source(%dma_start3A_242 : memref<100000x16xf32, #tpu.memory_space<hbm>>) target(%dma_start3A_236 : memref<128x16xf32, #tpu.memory_space<vmem>>) offsets(%dma_start3A_239 : memref<128xi32, #tpu.memory_space<vmem>>) semaphore(%arg13 : memref<!tpu.dma_semaphore, #tpu.memory_space<semaphore_mem>>)
        %dma_start3A_243 = arith.constant 11 : i32
        %dma_start3A_244 = arith.constant 1408 : i32
        %dma_start3A_245 = arith.constant 0 : i32
        %dma_start3A_246 = tpu.memref_slice %arg9[%dma_start3A_244, %dma_start3A_245] : memref<2560x16xf32, #tpu.memory_space<vmem>> -> memref<128x16xf32, #tpu.memory_space<vmem>>
        %dma_start3A_247 = arith.constant 0 : i32
        %dma_start3A_248 = tpu.memref_slice %arg7[%dma_start3A_243, %dma_start3A_247] : memref<20x128xi32, #tpu.memory_space<vmem>> -> memref<1x128xi32, #tpu.memory_space<vmem>>
        %dma_start3A_249 = tpu.memref_squeeze %dma_start3A_248 : memref<1x128xi32, #tpu.memory_space<vmem>> -> memref<128xi32, #tpu.memory_space<vmem>>
        %dma_start3A_250 = arith.constant 0 : i32
        %dma_start3A_251 = arith.constant 0 : i32
        %dma_start3A_252 = tpu.memref_slice %arg2[%dma_start3A_250, %dma_start3A_251] : memref<100000x16xf32, #tpu.memory_space<hbm>> -> memref<100000x16xf32, #tpu.memory_space<hbm>>
        tpu.enqueue_indirect_dma source(%dma_start3A_252 : memref<100000x16xf32, #tpu.memory_space<hbm>>) target(%dma_start3A_246 : memref<128x16xf32, #tpu.memory_space<vmem>>) offsets(%dma_start3A_249 : memref<128xi32, #tpu.memory_space<vmem>>) semaphore(%arg13 : memref<!tpu.dma_semaphore, #tpu.memory_space<semaphore_mem>>)
        %dma_start3A_253 = arith.constant 11 : i32
        %dma_start3A_254 = arith.constant 1408 : i32
        %dma_start3A_255 = arith.constant 0 : i32
        %dma_start3A_256 = tpu.memref_slice %arg10[%dma_start3A_254, %dma_start3A_255] : memref<2560x16xf32, #tpu.memory_space<vmem>> -> memref<128x16xf32, #tpu.memory_space<vmem>>
        %dma_start3A_257 = arith.constant 0 : i32
        %dma_start3A_258 = tpu.memref_slice %arg8[%dma_start3A_253, %dma_start3A_257] : memref<20x128xi32, #tpu.memory_space<vmem>> -> memref<1x128xi32, #tpu.memory_space<vmem>>
        %dma_start3A_259 = tpu.memref_squeeze %dma_start3A_258 : memref<1x128xi32, #tpu.memory_space<vmem>> -> memref<128xi32, #tpu.memory_space<vmem>>
        %dma_start3A_260 = arith.constant 0 : i32
        %dma_start3A_261 = arith.constant 0 : i32
        %dma_start3A_262 = tpu.memref_slice %arg2[%dma_start3A_260, %dma_start3A_261] : memref<100000x16xf32, #tpu.memory_space<hbm>> -> memref<100000x16xf32, #tpu.memory_space<hbm>>
        tpu.enqueue_indirect_dma source(%dma_start3A_262 : memref<100000x16xf32, #tpu.memory_space<hbm>>) target(%dma_start3A_256 : memref<128x16xf32, #tpu.memory_space<vmem>>) offsets(%dma_start3A_259 : memref<128xi32, #tpu.memory_space<vmem>>) semaphore(%arg13 : memref<!tpu.dma_semaphore, #tpu.memory_space<semaphore_mem>>)
        %dma_start3A_263 = arith.constant 12 : i32
        %dma_start3A_264 = arith.constant 1536 : i32
        %dma_start3A_265 = arith.constant 0 : i32
        %dma_start3A_266 = tpu.memref_slice %arg9[%dma_start3A_264, %dma_start3A_265] : memref<2560x16xf32, #tpu.memory_space<vmem>> -> memref<128x16xf32, #tpu.memory_space<vmem>>
        %dma_start3A_267 = arith.constant 0 : i32
        %dma_start3A_268 = tpu.memref_slice %arg7[%dma_start3A_263, %dma_start3A_267] : memref<20x128xi32, #tpu.memory_space<vmem>> -> memref<1x128xi32, #tpu.memory_space<vmem>>
        %dma_start3A_269 = tpu.memref_squeeze %dma_start3A_268 : memref<1x128xi32, #tpu.memory_space<vmem>> -> memref<128xi32, #tpu.memory_space<vmem>>
        %dma_start3A_270 = arith.constant 0 : i32
        %dma_start3A_271 = arith.constant 0 : i32
        %dma_start3A_272 = tpu.memref_slice %arg2[%dma_start3A_270, %dma_start3A_271] : memref<100000x16xf32, #tpu.memory_space<hbm>> -> memref<100000x16xf32, #tpu.memory_space<hbm>>
        tpu.enqueue_indirect_dma source(%dma_start3A_272 : memref<100000x16xf32, #tpu.memory_space<hbm>>) target(%dma_start3A_266 : memref<128x16xf32, #tpu.memory_space<vmem>>) offsets(%dma_start3A_269 : memref<128xi32, #tpu.memory_space<vmem>>) semaphore(%arg13 : memref<!tpu.dma_semaphore, #tpu.memory_space<semaphore_mem>>)
        %dma_start3A_273 = arith.constant 12 : i32
        %dma_start3A_274 = arith.constant 1536 : i32
        %dma_start3A_275 = arith.constant 0 : i32
        %dma_start3A_276 = tpu.memref_slice %arg10[%dma_start3A_274, %dma_start3A_275] : memref<2560x16xf32, #tpu.memory_space<vmem>> -> memref<128x16xf32, #tpu.memory_space<vmem>>
        %dma_start3A_277 = arith.constant 0 : i32
        %dma_start3A_278 = tpu.memref_slice %arg8[%dma_start3A_273, %dma_start3A_277] : memref<20x128xi32, #tpu.memory_space<vmem>> -> memref<1x128xi32, #tpu.memory_space<vmem>>
        %dma_start3A_279 = tpu.memref_squeeze %dma_start3A_278 : memref<1x128xi32, #tpu.memory_space<vmem>> -> memref<128xi32, #tpu.memory_space<vmem>>
        %dma_start3A_280 = arith.constant 0 : i32
        %dma_start3A_281 = arith.constant 0 : i32
        %dma_start3A_282 = tpu.memref_slice %arg2[%dma_start3A_280, %dma_start3A_281] : memref<100000x16xf32, #tpu.memory_space<hbm>> -> memref<100000x16xf32, #tpu.memory_space<hbm>>
        tpu.enqueue_indirect_dma source(%dma_start3A_282 : memref<100000x16xf32, #tpu.memory_space<hbm>>) target(%dma_start3A_276 : memref<128x16xf32, #tpu.memory_space<vmem>>) offsets(%dma_start3A_279 : memref<128xi32, #tpu.memory_space<vmem>>) semaphore(%arg13 : memref<!tpu.dma_semaphore, #tpu.memory_space<semaphore_mem>>)
        %dma_start3A_283 = arith.constant 13 : i32
        %dma_start3A_284 = arith.constant 1664 : i32
        %dma_start3A_285 = arith.constant 0 : i32
        %dma_start3A_286 = tpu.memref_slice %arg9[%dma_start3A_284, %dma_start3A_285] : memref<2560x16xf32, #tpu.memory_space<vmem>> -> memref<128x16xf32, #tpu.memory_space<vmem>>
        %dma_start3A_287 = arith.constant 0 : i32
        %dma_start3A_288 = tpu.memref_slice %arg7[%dma_start3A_283, %dma_start3A_287] : memref<20x128xi32, #tpu.memory_space<vmem>> -> memref<1x128xi32, #tpu.memory_space<vmem>>
        %dma_start3A_289 = tpu.memref_squeeze %dma_start3A_288 : memref<1x128xi32, #tpu.memory_space<vmem>> -> memref<128xi32, #tpu.memory_space<vmem>>
        %dma_start3A_290 = arith.constant 0 : i32
        %dma_start3A_291 = arith.constant 0 : i32
        %dma_start3A_292 = tpu.memref_slice %arg2[%dma_start3A_290, %dma_start3A_291] : memref<100000x16xf32, #tpu.memory_space<hbm>> -> memref<100000x16xf32, #tpu.memory_space<hbm>>
        tpu.enqueue_indirect_dma source(%dma_start3A_292 : memref<100000x16xf32, #tpu.memory_space<hbm>>) target(%dma_start3A_286 : memref<128x16xf32, #tpu.memory_space<vmem>>) offsets(%dma_start3A_289 : memref<128xi32, #tpu.memory_space<vmem>>) semaphore(%arg13 : memref<!tpu.dma_semaphore, #tpu.memory_space<semaphore_mem>>)
        %dma_start3A_293 = arith.constant 13 : i32
        %dma_start3A_294 = arith.constant 1664 : i32
        %dma_start3A_295 = arith.constant 0 : i32
        %dma_start3A_296 = tpu.memref_slice %arg10[%dma_start3A_294, %dma_start3A_295] : memref<2560x16xf32, #tpu.memory_space<vmem>> -> memref<128x16xf32, #tpu.memory_space<vmem>>
        %dma_start3A_297 = arith.constant 0 : i32
        %dma_start3A_298 = tpu.memref_slice %arg8[%dma_start3A_293, %dma_start3A_297] : memref<20x128xi32, #tpu.memory_space<vmem>> -> memref<1x128xi32, #tpu.memory_space<vmem>>
        %dma_start3A_299 = tpu.memref_squeeze %dma_start3A_298 : memref<1x128xi32, #tpu.memory_space<vmem>> -> memref<128xi32, #tpu.memory_space<vmem>>
        %dma_start3A_300 = arith.constant 0 : i32
        %dma_start3A_301 = arith.constant 0 : i32
        %dma_start3A_302 = tpu.memref_slice %arg2[%dma_start3A_300, %dma_start3A_301] : memref<100000x16xf32, #tpu.memory_space<hbm>> -> memref<100000x16xf32, #tpu.memory_space<hbm>>
        tpu.enqueue_indirect_dma source(%dma_start3A_302 : memref<100000x16xf32, #tpu.memory_space<hbm>>) target(%dma_start3A_296 : memref<128x16xf32, #tpu.memory_space<vmem>>) offsets(%dma_start3A_299 : memref<128xi32, #tpu.memory_space<vmem>>) semaphore(%arg13 : memref<!tpu.dma_semaphore, #tpu.memory_space<semaphore_mem>>)
        %dma_start3A_303 = arith.constant 14 : i32
        %dma_start3A_304 = arith.constant 1792 : i32
        %dma_start3A_305 = arith.constant 0 : i32
        %dma_start3A_306 = tpu.memref_slice %arg9[%dma_start3A_304, %dma_start3A_305] : memref<2560x16xf32, #tpu.memory_space<vmem>> -> memref<128x16xf32, #tpu.memory_space<vmem>>
        %dma_start3A_307 = arith.constant 0 : i32
        %dma_start3A_308 = tpu.memref_slice %arg7[%dma_start3A_303, %dma_start3A_307] : memref<20x128xi32, #tpu.memory_space<vmem>> -> memref<1x128xi32, #tpu.memory_space<vmem>>
        %dma_start3A_309 = tpu.memref_squeeze %dma_start3A_308 : memref<1x128xi32, #tpu.memory_space<vmem>> -> memref<128xi32, #tpu.memory_space<vmem>>
        %dma_start3A_310 = arith.constant 0 : i32
        %dma_start3A_311 = arith.constant 0 : i32
        %dma_start3A_312 = tpu.memref_slice %arg2[%dma_start3A_310, %dma_start3A_311] : memref<100000x16xf32, #tpu.memory_space<hbm>> -> memref<100000x16xf32, #tpu.memory_space<hbm>>
        tpu.enqueue_indirect_dma source(%dma_start3A_312 : memref<100000x16xf32, #tpu.memory_space<hbm>>) target(%dma_start3A_306 : memref<128x16xf32, #tpu.memory_space<vmem>>) offsets(%dma_start3A_309 : memref<128xi32, #tpu.memory_space<vmem>>) semaphore(%arg13 : memref<!tpu.dma_semaphore, #tpu.memory_space<semaphore_mem>>)
        %dma_start3A_313 = arith.constant 14 : i32
        %dma_start3A_314 = arith.constant 1792 : i32
        %dma_start3A_315 = arith.constant 0 : i32
        %dma_start3A_316 = tpu.memref_slice %arg10[%dma_start3A_314, %dma_start3A_315] : memref<2560x16xf32, #tpu.memory_space<vmem>> -> memref<128x16xf32, #tpu.memory_space<vmem>>
        %dma_start3A_317 = arith.constant 0 : i32
        %dma_start3A_318 = tpu.memref_slice %arg8[%dma_start3A_313, %dma_start3A_317] : memref<20x128xi32, #tpu.memory_space<vmem>> -> memref<1x128xi32, #tpu.memory_space<vmem>>
        %dma_start3A_319 = tpu.memref_squeeze %dma_start3A_318 : memref<1x128xi32, #tpu.memory_space<vmem>> -> memref<128xi32, #tpu.memory_space<vmem>>
        %dma_start3A_320 = arith.constant 0 : i32
        %dma_start3A_321 = arith.constant 0 : i32
        %dma_start3A_322 = tpu.memref_slice %arg2[%dma_start3A_320, %dma_start3A_321] : memref<100000x16xf32, #tpu.memory_space<hbm>> -> memref<100000x16xf32, #tpu.memory_space<hbm>>
        tpu.enqueue_indirect_dma source(%dma_start3A_322 : memref<100000x16xf32, #tpu.memory_space<hbm>>) target(%dma_start3A_316 : memref<128x16xf32, #tpu.memory_space<vmem>>) offsets(%dma_start3A_319 : memref<128xi32, #tpu.memory_space<vmem>>) semaphore(%arg13 : memref<!tpu.dma_semaphore, #tpu.memory_space<semaphore_mem>>)
        %dma_start3A_323 = arith.constant 15 : i32
        %dma_start3A_324 = arith.constant 1920 : i32
        %dma_start3A_325 = arith.constant 0 : i32
        %dma_start3A_326 = tpu.memref_slice %arg9[%dma_start3A_324, %dma_start3A_325] : memref<2560x16xf32, #tpu.memory_space<vmem>> -> memref<128x16xf32, #tpu.memory_space<vmem>>
        %dma_start3A_327 = arith.constant 0 : i32
        %dma_start3A_328 = tpu.memref_slice %arg7[%dma_start3A_323, %dma_start3A_327] : memref<20x128xi32, #tpu.memory_space<vmem>> -> memref<1x128xi32, #tpu.memory_space<vmem>>
        %dma_start3A_329 = tpu.memref_squeeze %dma_start3A_328 : memref<1x128xi32, #tpu.memory_space<vmem>> -> memref<128xi32, #tpu.memory_space<vmem>>
        %dma_start3A_330 = arith.constant 0 : i32
        %dma_start3A_331 = arith.constant 0 : i32
        %dma_start3A_332 = tpu.memref_slice %arg2[%dma_start3A_330, %dma_start3A_331] : memref<100000x16xf32, #tpu.memory_space<hbm>> -> memref<100000x16xf32, #tpu.memory_space<hbm>>
        tpu.enqueue_indirect_dma source(%dma_start3A_332 : memref<100000x16xf32, #tpu.memory_space<hbm>>) target(%dma_start3A_326 : memref<128x16xf32, #tpu.memory_space<vmem>>) offsets(%dma_start3A_329 : memref<128xi32, #tpu.memory_space<vmem>>) semaphore(%arg13 : memref<!tpu.dma_semaphore, #tpu.memory_space<semaphore_mem>>)
        %dma_start3A_333 = arith.constant 15 : i32
        %dma_start3A_334 = arith.constant 1920 : i32
        %dma_start3A_335 = arith.constant 0 : i32
        %dma_start3A_336 = tpu.memref_slice %arg10[%dma_start3A_334, %dma_start3A_335] : memref<2560x16xf32, #tpu.memory_space<vmem>> -> memref<128x16xf32, #tpu.memory_space<vmem>>
        %dma_start3A_337 = arith.constant 0 : i32
        %dma_start3A_338 = tpu.memref_slice %arg8[%dma_start3A_333, %dma_start3A_337] : memref<20x128xi32, #tpu.memory_space<vmem>> -> memref<1x128xi32, #tpu.memory_space<vmem>>
        %dma_start3A_339 = tpu.memref_squeeze %dma_start3A_338 : memref<1x128xi32, #tpu.memory_space<vmem>> -> memref<128xi32, #tpu.memory_space<vmem>>
        %dma_start3A_340 = arith.constant 0 : i32
        %dma_start3A_341 = arith.constant 0 : i32
        %dma_start3A_342 = tpu.memref_slice %arg2[%dma_start3A_340, %dma_start3A_341] : memref<100000x16xf32, #tpu.memory_space<hbm>> -> memref<100000x16xf32, #tpu.memory_space<hbm>>
        tpu.enqueue_indirect_dma source(%dma_start3A_342 : memref<100000x16xf32, #tpu.memory_space<hbm>>) target(%dma_start3A_336 : memref<128x16xf32, #tpu.memory_space<vmem>>) offsets(%dma_start3A_339 : memref<128xi32, #tpu.memory_space<vmem>>) semaphore(%arg13 : memref<!tpu.dma_semaphore, #tpu.memory_space<semaphore_mem>>)
        %dma_start3A_343 = arith.constant 16 : i32
        %dma_start3A_344 = arith.constant 2048 : i32
        %dma_start3A_345 = arith.constant 0 : i32
        %dma_start3A_346 = tpu.memref_slice %arg9[%dma_start3A_344, %dma_start3A_345] : memref<2560x16xf32, #tpu.memory_space<vmem>> -> memref<128x16xf32, #tpu.memory_space<vmem>>
        %dma_start3A_347 = arith.constant 0 : i32
        %dma_start3A_348 = tpu.memref_slice %arg7[%dma_start3A_343, %dma_start3A_347] : memref<20x128xi32, #tpu.memory_space<vmem>> -> memref<1x128xi32, #tpu.memory_space<vmem>>
        %dma_start3A_349 = tpu.memref_squeeze %dma_start3A_348 : memref<1x128xi32, #tpu.memory_space<vmem>> -> memref<128xi32, #tpu.memory_space<vmem>>
        %dma_start3A_350 = arith.constant 0 : i32
        %dma_start3A_351 = arith.constant 0 : i32
        %dma_start3A_352 = tpu.memref_slice %arg2[%dma_start3A_350, %dma_start3A_351] : memref<100000x16xf32, #tpu.memory_space<hbm>> -> memref<100000x16xf32, #tpu.memory_space<hbm>>
        tpu.enqueue_indirect_dma source(%dma_start3A_352 : memref<100000x16xf32, #tpu.memory_space<hbm>>) target(%dma_start3A_346 : memref<128x16xf32, #tpu.memory_space<vmem>>) offsets(%dma_start3A_349 : memref<128xi32, #tpu.memory_space<vmem>>) semaphore(%arg13 : memref<!tpu.dma_semaphore, #tpu.memory_space<semaphore_mem>>)
        %dma_start3A_353 = arith.constant 16 : i32
        %dma_start3A_354 = arith.constant 2048 : i32
        %dma_start3A_355 = arith.constant 0 : i32
        %dma_start3A_356 = tpu.memref_slice %arg10[%dma_start3A_354, %dma_start3A_355] : memref<2560x16xf32, #tpu.memory_space<vmem>> -> memref<128x16xf32, #tpu.memory_space<vmem>>
        %dma_start3A_357 = arith.constant 0 : i32
        %dma_start3A_358 = tpu.memref_slice %arg8[%dma_start3A_353, %dma_start3A_357] : memref<20x128xi32, #tpu.memory_space<vmem>> -> memref<1x128xi32, #tpu.memory_space<vmem>>
        %dma_start3A_359 = tpu.memref_squeeze %dma_start3A_358 : memref<1x128xi32, #tpu.memory_space<vmem>> -> memref<128xi32, #tpu.memory_space<vmem>>
        %dma_start3A_360 = arith.constant 0 : i32
        %dma_start3A_361 = arith.constant 0 : i32
        %dma_start3A_362 = tpu.memref_slice %arg2[%dma_start3A_360, %dma_start3A_361] : memref<100000x16xf32, #tpu.memory_space<hbm>> -> memref<100000x16xf32, #tpu.memory_space<hbm>>
        tpu.enqueue_indirect_dma source(%dma_start3A_362 : memref<100000x16xf32, #tpu.memory_space<hbm>>) target(%dma_start3A_356 : memref<128x16xf32, #tpu.memory_space<vmem>>) offsets(%dma_start3A_359 : memref<128xi32, #tpu.memory_space<vmem>>) semaphore(%arg13 : memref<!tpu.dma_semaphore, #tpu.memory_space<semaphore_mem>>)
        %dma_start3A_363 = arith.constant 17 : i32
        %dma_start3A_364 = arith.constant 2176 : i32
        %dma_start3A_365 = arith.constant 0 : i32
        %dma_start3A_366 = tpu.memref_slice %arg9[%dma_start3A_364, %dma_start3A_365] : memref<2560x16xf32, #tpu.memory_space<vmem>> -> memref<128x16xf32, #tpu.memory_space<vmem>>
        %dma_start3A_367 = arith.constant 0 : i32
        %dma_start3A_368 = tpu.memref_slice %arg7[%dma_start3A_363, %dma_start3A_367] : memref<20x128xi32, #tpu.memory_space<vmem>> -> memref<1x128xi32, #tpu.memory_space<vmem>>
        %dma_start3A_369 = tpu.memref_squeeze %dma_start3A_368 : memref<1x128xi32, #tpu.memory_space<vmem>> -> memref<128xi32, #tpu.memory_space<vmem>>
        %dma_start3A_370 = arith.constant 0 : i32
        %dma_start3A_371 = arith.constant 0 : i32
        %dma_start3A_372 = tpu.memref_slice %arg2[%dma_start3A_370, %dma_start3A_371] : memref<100000x16xf32, #tpu.memory_space<hbm>> -> memref<100000x16xf32, #tpu.memory_space<hbm>>
        tpu.enqueue_indirect_dma source(%dma_start3A_372 : memref<100000x16xf32, #tpu.memory_space<hbm>>) target(%dma_start3A_366 : memref<128x16xf32, #tpu.memory_space<vmem>>) offsets(%dma_start3A_369 : memref<128xi32, #tpu.memory_space<vmem>>) semaphore(%arg13 : memref<!tpu.dma_semaphore, #tpu.memory_space<semaphore_mem>>)
        %dma_start3A_373 = arith.constant 17 : i32
        %dma_start3A_374 = arith.constant 2176 : i32
        %dma_start3A_375 = arith.constant 0 : i32
        %dma_start3A_376 = tpu.memref_slice %arg10[%dma_start3A_374, %dma_start3A_375] : memref<2560x16xf32, #tpu.memory_space<vmem>> -> memref<128x16xf32, #tpu.memory_space<vmem>>
        %dma_start3A_377 = arith.constant 0 : i32
        %dma_start3A_378 = tpu.memref_slice %arg8[%dma_start3A_373, %dma_start3A_377] : memref<20x128xi32, #tpu.memory_space<vmem>> -> memref<1x128xi32, #tpu.memory_space<vmem>>
        %dma_start3A_379 = tpu.memref_squeeze %dma_start3A_378 : memref<1x128xi32, #tpu.memory_space<vmem>> -> memref<128xi32, #tpu.memory_space<vmem>>
        %dma_start3A_380 = arith.constant 0 : i32
        %dma_start3A_381 = arith.constant 0 : i32
        %dma_start3A_382 = tpu.memref_slice %arg2[%dma_start3A_380, %dma_start3A_381] : memref<100000x16xf32, #tpu.memory_space<hbm>> -> memref<100000x16xf32, #tpu.memory_space<hbm>>
        tpu.enqueue_indirect_dma source(%dma_start3A_382 : memref<100000x16xf32, #tpu.memory_space<hbm>>) target(%dma_start3A_376 : memref<128x16xf32, #tpu.memory_space<vmem>>) offsets(%dma_start3A_379 : memref<128xi32, #tpu.memory_space<vmem>>) semaphore(%arg13 : memref<!tpu.dma_semaphore, #tpu.memory_space<semaphore_mem>>)
        %dma_start3A_383 = arith.constant 18 : i32
        %dma_start3A_384 = arith.constant 2304 : i32
        %dma_start3A_385 = arith.constant 0 : i32
        %dma_start3A_386 = tpu.memref_slice %arg9[%dma_start3A_384, %dma_start3A_385] : memref<2560x16xf32, #tpu.memory_space<vmem>> -> memref<128x16xf32, #tpu.memory_space<vmem>>
        %dma_start3A_387 = arith.constant 0 : i32
        %dma_start3A_388 = tpu.memref_slice %arg7[%dma_start3A_383, %dma_start3A_387] : memref<20x128xi32, #tpu.memory_space<vmem>> -> memref<1x128xi32, #tpu.memory_space<vmem>>
        %dma_start3A_389 = tpu.memref_squeeze %dma_start3A_388 : memref<1x128xi32, #tpu.memory_space<vmem>> -> memref<128xi32, #tpu.memory_space<vmem>>
        %dma_start3A_390 = arith.constant 0 : i32
        %dma_start3A_391 = arith.constant 0 : i32
        %dma_start3A_392 = tpu.memref_slice %arg2[%dma_start3A_390, %dma_start3A_391] : memref<100000x16xf32, #tpu.memory_space<hbm>> -> memref<100000x16xf32, #tpu.memory_space<hbm>>
        tpu.enqueue_indirect_dma source(%dma_start3A_392 : memref<100000x16xf32, #tpu.memory_space<hbm>>) target(%dma_start3A_386 : memref<128x16xf32, #tpu.memory_space<vmem>>) offsets(%dma_start3A_389 : memref<128xi32, #tpu.memory_space<vmem>>) semaphore(%arg13 : memref<!tpu.dma_semaphore, #tpu.memory_space<semaphore_mem>>)
        %dma_start3A_393 = arith.constant 18 : i32
        %dma_start3A_394 = arith.constant 2304 : i32
        %dma_start3A_395 = arith.constant 0 : i32
        %dma_start3A_396 = tpu.memref_slice %arg10[%dma_start3A_394, %dma_start3A_395] : memref<2560x16xf32, #tpu.memory_space<vmem>> -> memref<128x16xf32, #tpu.memory_space<vmem>>
        %dma_start3A_397 = arith.constant 0 : i32
        %dma_start3A_398 = tpu.memref_slice %arg8[%dma_start3A_393, %dma_start3A_397] : memref<20x128xi32, #tpu.memory_space<vmem>> -> memref<1x128xi32, #tpu.memory_space<vmem>>
        %dma_start3A_399 = tpu.memref_squeeze %dma_start3A_398 : memref<1x128xi32, #tpu.memory_space<vmem>> -> memref<128xi32, #tpu.memory_space<vmem>>
        %dma_start3A_400 = arith.constant 0 : i32
        %dma_start3A_401 = arith.constant 0 : i32
        %dma_start3A_402 = tpu.memref_slice %arg2[%dma_start3A_400, %dma_start3A_401] : memref<100000x16xf32, #tpu.memory_space<hbm>> -> memref<100000x16xf32, #tpu.memory_space<hbm>>
        tpu.enqueue_indirect_dma source(%dma_start3A_402 : memref<100000x16xf32, #tpu.memory_space<hbm>>) target(%dma_start3A_396 : memref<128x16xf32, #tpu.memory_space<vmem>>) offsets(%dma_start3A_399 : memref<128xi32, #tpu.memory_space<vmem>>) semaphore(%arg13 : memref<!tpu.dma_semaphore, #tpu.memory_space<semaphore_mem>>)
        %dma_start3A_403 = arith.constant 19 : i32
        %dma_start3A_404 = arith.constant 2432 : i32
        %dma_start3A_405 = arith.constant 0 : i32
        %dma_start3A_406 = tpu.memref_slice %arg9[%dma_start3A_404, %dma_start3A_405] : memref<2560x16xf32, #tpu.memory_space<vmem>> -> memref<128x16xf32, #tpu.memory_space<vmem>>
        %dma_start3A_407 = arith.constant 0 : i32
        %dma_start3A_408 = tpu.memref_slice %arg7[%dma_start3A_403, %dma_start3A_407] : memref<20x128xi32, #tpu.memory_space<vmem>> -> memref<1x128xi32, #tpu.memory_space<vmem>>
        %dma_start3A_409 = tpu.memref_squeeze %dma_start3A_408 : memref<1x128xi32, #tpu.memory_space<vmem>> -> memref<128xi32, #tpu.memory_space<vmem>>
        %dma_start3A_410 = arith.constant 0 : i32
        %dma_start3A_411 = arith.constant 0 : i32
        %dma_start3A_412 = tpu.memref_slice %arg2[%dma_start3A_410, %dma_start3A_411] : memref<100000x16xf32, #tpu.memory_space<hbm>> -> memref<100000x16xf32, #tpu.memory_space<hbm>>
        tpu.enqueue_indirect_dma source(%dma_start3A_412 : memref<100000x16xf32, #tpu.memory_space<hbm>>) target(%dma_start3A_406 : memref<128x16xf32, #tpu.memory_space<vmem>>) offsets(%dma_start3A_409 : memref<128xi32, #tpu.memory_space<vmem>>) semaphore(%arg13 : memref<!tpu.dma_semaphore, #tpu.memory_space<semaphore_mem>>)
        %dma_start3A_413 = arith.constant 19 : i32
        %dma_start3A_414 = arith.constant 2432 : i32
        %dma_start3A_415 = arith.constant 0 : i32
        %dma_start3A_416 = tpu.memref_slice %arg10[%dma_start3A_414, %dma_start3A_415] : memref<2560x16xf32, #tpu.memory_space<vmem>> -> memref<128x16xf32, #tpu.memory_space<vmem>>
        %dma_start3A_417 = arith.constant 0 : i32
        %dma_start3A_418 = tpu.memref_slice %arg8[%dma_start3A_413, %dma_start3A_417] : memref<20x128xi32, #tpu.memory_space<vmem>> -> memref<1x128xi32, #tpu.memory_space<vmem>>
        %dma_start3A_419 = tpu.memref_squeeze %dma_start3A_418 : memref<1x128xi32, #tpu.memory_space<vmem>> -> memref<128xi32, #tpu.memory_space<vmem>>
        %dma_start3A_420 = arith.constant 0 : i32
        %dma_start3A_421 = arith.constant 0 : i32
        %dma_start3A_422 = tpu.memref_slice %arg2[%dma_start3A_420, %dma_start3A_421] : memref<100000x16xf32, #tpu.memory_space<hbm>> -> memref<100000x16xf32, #tpu.memory_space<hbm>>
        tpu.enqueue_indirect_dma source(%dma_start3A_422 : memref<100000x16xf32, #tpu.memory_space<hbm>>) target(%dma_start3A_416 : memref<128x16xf32, #tpu.memory_space<vmem>>) offsets(%dma_start3A_419 : memref<128xi32, #tpu.memory_space<vmem>>) semaphore(%arg13 : memref<!tpu.dma_semaphore, #tpu.memory_space<semaphore_mem>>)
        %dma_wait3A = arith.constant 0 : i32
        %dma_wait3A_423 = arith.constant 0 : i32
        %dma_wait3A_424 = arith.constant 0 : i32
        %dma_wait3A_425 = tpu.memref_slice %arg9[%dma_wait3A_423, %dma_wait3A_424] : memref<2560x16xf32, #tpu.memory_space<vmem>> -> memref<128x16xf32, #tpu.memory_space<vmem>>
        %dma_wait3A_426 = arith.constant 0 : i32
        %dma_wait3A_427 = tpu.memref_slice %arg7[%dma_wait3A, %dma_wait3A_426] : memref<20x128xi32, #tpu.memory_space<vmem>> -> memref<1x128xi32, #tpu.memory_space<vmem>>
        %dma_wait3A_428 = tpu.memref_squeeze %dma_wait3A_427 : memref<1x128xi32, #tpu.memory_space<vmem>> -> memref<128xi32, #tpu.memory_space<vmem>>
        %dma_wait3A_429 = arith.constant 0 : i32
        %dma_wait3A_430 = arith.constant 0 : i32
        %dma_wait3A_431 = tpu.memref_slice %arg2[%dma_wait3A_429, %dma_wait3A_430] : memref<100000x16xf32, #tpu.memory_space<hbm>> -> memref<100000x16xf32, #tpu.memory_space<hbm>>
        tpu.wait_indirect_dma semaphore(%arg13 : memref<!tpu.dma_semaphore, #tpu.memory_space<semaphore_mem>>) src(%dma_wait3A_431 : memref<100000x16xf32, #tpu.memory_space<hbm>>) dst(%dma_wait3A_425 : memref<128x16xf32, #tpu.memory_space<vmem>>)
        %dma_wait3A_432 = arith.constant 0 : i32
        %dma_wait3A_433 = arith.constant 0 : i32
        %dma_wait3A_434 = arith.constant 0 : i32
        %dma_wait3A_435 = tpu.memref_slice %arg10[%dma_wait3A_433, %dma_wait3A_434] : memref<2560x16xf32, #tpu.memory_space<vmem>> -> memref<128x16xf32, #tpu.memory_space<vmem>>
        %dma_wait3A_436 = arith.constant 0 : i32
        %dma_wait3A_437 = tpu.memref_slice %arg8[%dma_wait3A_432, %dma_wait3A_436] : memref<20x128xi32, #tpu.memory_space<vmem>> -> memref<1x128xi32, #tpu.memory_space<vmem>>
        %dma_wait3A_438 = tpu.memref_squeeze %dma_wait3A_437 : memref<1x128xi32, #tpu.memory_space<vmem>> -> memref<128xi32, #tpu.memory_space<vmem>>
        %dma_wait3A_439 = arith.constant 0 : i32
        %dma_wait3A_440 = arith.constant 0 : i32
        %dma_wait3A_441 = tpu.memref_slice %arg2[%dma_wait3A_439, %dma_wait3A_440] : memref<100000x16xf32, #tpu.memory_space<hbm>> -> memref<100000x16xf32, #tpu.memory_space<hbm>>
        tpu.wait_indirect_dma semaphore(%arg13 : memref<!tpu.dma_semaphore, #tpu.memory_space<semaphore_mem>>) src(%dma_wait3A_441 : memref<100000x16xf32, #tpu.memory_space<hbm>>) dst(%dma_wait3A_435 : memref<128x16xf32, #tpu.memory_space<vmem>>)
        %dma_wait3A_442 = arith.constant 1 : i32
        %dma_wait3A_443 = arith.constant 128 : i32
        %dma_wait3A_444 = arith.constant 0 : i32
        %dma_wait3A_445 = tpu.memref_slice %arg9[%dma_wait3A_443, %dma_wait3A_444] : memref<2560x16xf32, #tpu.memory_space<vmem>> -> memref<128x16xf32, #tpu.memory_space<vmem>>
        %dma_wait3A_446 = arith.constant 0 : i32
        %dma_wait3A_447 = tpu.memref_slice %arg7[%dma_wait3A_442, %dma_wait3A_446] : memref<20x128xi32, #tpu.memory_space<vmem>> -> memref<1x128xi32, #tpu.memory_space<vmem>>
        %dma_wait3A_448 = tpu.memref_squeeze %dma_wait3A_447 : memref<1x128xi32, #tpu.memory_space<vmem>> -> memref<128xi32, #tpu.memory_space<vmem>>
        %dma_wait3A_449 = arith.constant 0 : i32
        %dma_wait3A_450 = arith.constant 0 : i32
        %dma_wait3A_451 = tpu.memref_slice %arg2[%dma_wait3A_449, %dma_wait3A_450] : memref<100000x16xf32, #tpu.memory_space<hbm>> -> memref<100000x16xf32, #tpu.memory_space<hbm>>
        tpu.wait_indirect_dma semaphore(%arg13 : memref<!tpu.dma_semaphore, #tpu.memory_space<semaphore_mem>>) src(%dma_wait3A_451 : memref<100000x16xf32, #tpu.memory_space<hbm>>) dst(%dma_wait3A_445 : memref<128x16xf32, #tpu.memory_space<vmem>>)
        %dma_wait3A_452 = arith.constant 1 : i32
        %dma_wait3A_453 = arith.constant 128 : i32
        %dma_wait3A_454 = arith.constant 0 : i32
        %dma_wait3A_455 = tpu.memref_slice %arg10[%dma_wait3A_453, %dma_wait3A_454] : memref<2560x16xf32, #tpu.memory_space<vmem>> -> memref<128x16xf32, #tpu.memory_space<vmem>>
        %dma_wait3A_456 = arith.constant 0 : i32
        %dma_wait3A_457 = tpu.memref_slice %arg8[%dma_wait3A_452, %dma_wait3A_456] : memref<20x128xi32, #tpu.memory_space<vmem>> -> memref<1x128xi32, #tpu.memory_space<vmem>>
        %dma_wait3A_458 = tpu.memref_squeeze %dma_wait3A_457 : memref<1x128xi32, #tpu.memory_space<vmem>> -> memref<128xi32, #tpu.memory_space<vmem>>
        %dma_wait3A_459 = arith.constant 0 : i32
        %dma_wait3A_460 = arith.constant 0 : i32
        %dma_wait3A_461 = tpu.memref_slice %arg2[%dma_wait3A_459, %dma_wait3A_460] : memref<100000x16xf32, #tpu.memory_space<hbm>> -> memref<100000x16xf32, #tpu.memory_space<hbm>>
        tpu.wait_indirect_dma semaphore(%arg13 : memref<!tpu.dma_semaphore, #tpu.memory_space<semaphore_mem>>) src(%dma_wait3A_461 : memref<100000x16xf32, #tpu.memory_space<hbm>>) dst(%dma_wait3A_455 : memref<128x16xf32, #tpu.memory_space<vmem>>)
        %dma_wait3A_462 = arith.constant 2 : i32
        %dma_wait3A_463 = arith.constant 256 : i32
        %dma_wait3A_464 = arith.constant 0 : i32
        %dma_wait3A_465 = tpu.memref_slice %arg9[%dma_wait3A_463, %dma_wait3A_464] : memref<2560x16xf32, #tpu.memory_space<vmem>> -> memref<128x16xf32, #tpu.memory_space<vmem>>
        %dma_wait3A_466 = arith.constant 0 : i32
        %dma_wait3A_467 = tpu.memref_slice %arg7[%dma_wait3A_462, %dma_wait3A_466] : memref<20x128xi32, #tpu.memory_space<vmem>> -> memref<1x128xi32, #tpu.memory_space<vmem>>
        %dma_wait3A_468 = tpu.memref_squeeze %dma_wait3A_467 : memref<1x128xi32, #tpu.memory_space<vmem>> -> memref<128xi32, #tpu.memory_space<vmem>>
        %dma_wait3A_469 = arith.constant 0 : i32
        %dma_wait3A_470 = arith.constant 0 : i32
        %dma_wait3A_471 = tpu.memref_slice %arg2[%dma_wait3A_469, %dma_wait3A_470] : memref<100000x16xf32, #tpu.memory_space<hbm>> -> memref<100000x16xf32, #tpu.memory_space<hbm>>
        tpu.wait_indirect_dma semaphore(%arg13 : memref<!tpu.dma_semaphore, #tpu.memory_space<semaphore_mem>>) src(%dma_wait3A_471 : memref<100000x16xf32, #tpu.memory_space<hbm>>) dst(%dma_wait3A_465 : memref<128x16xf32, #tpu.memory_space<vmem>>)
        %dma_wait3A_472 = arith.constant 2 : i32
        %dma_wait3A_473 = arith.constant 256 : i32
        %dma_wait3A_474 = arith.constant 0 : i32
        %dma_wait3A_475 = tpu.memref_slice %arg10[%dma_wait3A_473, %dma_wait3A_474] : memref<2560x16xf32, #tpu.memory_space<vmem>> -> memref<128x16xf32, #tpu.memory_space<vmem>>
        %dma_wait3A_476 = arith.constant 0 : i32
        %dma_wait3A_477 = tpu.memref_slice %arg8[%dma_wait3A_472, %dma_wait3A_476] : memref<20x128xi32, #tpu.memory_space<vmem>> -> memref<1x128xi32, #tpu.memory_space<vmem>>
        %dma_wait3A_478 = tpu.memref_squeeze %dma_wait3A_477 : memref<1x128xi32, #tpu.memory_space<vmem>> -> memref<128xi32, #tpu.memory_space<vmem>>
        %dma_wait3A_479 = arith.constant 0 : i32
        %dma_wait3A_480 = arith.constant 0 : i32
        %dma_wait3A_481 = tpu.memref_slice %arg2[%dma_wait3A_479, %dma_wait3A_480] : memref<100000x16xf32, #tpu.memory_space<hbm>> -> memref<100000x16xf32, #tpu.memory_space<hbm>>
        tpu.wait_indirect_dma semaphore(%arg13 : memref<!tpu.dma_semaphore, #tpu.memory_space<semaphore_mem>>) src(%dma_wait3A_481 : memref<100000x16xf32, #tpu.memory_space<hbm>>) dst(%dma_wait3A_475 : memref<128x16xf32, #tpu.memory_space<vmem>>)
        %dma_wait3A_482 = arith.constant 3 : i32
        %dma_wait3A_483 = arith.constant 384 : i32
        %dma_wait3A_484 = arith.constant 0 : i32
        %dma_wait3A_485 = tpu.memref_slice %arg9[%dma_wait3A_483, %dma_wait3A_484] : memref<2560x16xf32, #tpu.memory_space<vmem>> -> memref<128x16xf32, #tpu.memory_space<vmem>>
        %dma_wait3A_486 = arith.constant 0 : i32
        %dma_wait3A_487 = tpu.memref_slice %arg7[%dma_wait3A_482, %dma_wait3A_486] : memref<20x128xi32, #tpu.memory_space<vmem>> -> memref<1x128xi32, #tpu.memory_space<vmem>>
        %dma_wait3A_488 = tpu.memref_squeeze %dma_wait3A_487 : memref<1x128xi32, #tpu.memory_space<vmem>> -> memref<128xi32, #tpu.memory_space<vmem>>
        %dma_wait3A_489 = arith.constant 0 : i32
        %dma_wait3A_490 = arith.constant 0 : i32
        %dma_wait3A_491 = tpu.memref_slice %arg2[%dma_wait3A_489, %dma_wait3A_490] : memref<100000x16xf32, #tpu.memory_space<hbm>> -> memref<100000x16xf32, #tpu.memory_space<hbm>>
        tpu.wait_indirect_dma semaphore(%arg13 : memref<!tpu.dma_semaphore, #tpu.memory_space<semaphore_mem>>) src(%dma_wait3A_491 : memref<100000x16xf32, #tpu.memory_space<hbm>>) dst(%dma_wait3A_485 : memref<128x16xf32, #tpu.memory_space<vmem>>)
        %dma_wait3A_492 = arith.constant 3 : i32
        %dma_wait3A_493 = arith.constant 384 : i32
        %dma_wait3A_494 = arith.constant 0 : i32
        %dma_wait3A_495 = tpu.memref_slice %arg10[%dma_wait3A_493, %dma_wait3A_494] : memref<2560x16xf32, #tpu.memory_space<vmem>> -> memref<128x16xf32, #tpu.memory_space<vmem>>
        %dma_wait3A_496 = arith.constant 0 : i32
        %dma_wait3A_497 = tpu.memref_slice %arg8[%dma_wait3A_492, %dma_wait3A_496] : memref<20x128xi32, #tpu.memory_space<vmem>> -> memref<1x128xi32, #tpu.memory_space<vmem>>
        %dma_wait3A_498 = tpu.memref_squeeze %dma_wait3A_497 : memref<1x128xi32, #tpu.memory_space<vmem>> -> memref<128xi32, #tpu.memory_space<vmem>>
        %dma_wait3A_499 = arith.constant 0 : i32
        %dma_wait3A_500 = arith.constant 0 : i32
        %dma_wait3A_501 = tpu.memref_slice %arg2[%dma_wait3A_499, %dma_wait3A_500] : memref<100000x16xf32, #tpu.memory_space<hbm>> -> memref<100000x16xf32, #tpu.memory_space<hbm>>
        tpu.wait_indirect_dma semaphore(%arg13 : memref<!tpu.dma_semaphore, #tpu.memory_space<semaphore_mem>>) src(%dma_wait3A_501 : memref<100000x16xf32, #tpu.memory_space<hbm>>) dst(%dma_wait3A_495 : memref<128x16xf32, #tpu.memory_space<vmem>>)
        %dma_wait3A_502 = arith.constant 4 : i32
        %dma_wait3A_503 = arith.constant 512 : i32
        %dma_wait3A_504 = arith.constant 0 : i32
        %dma_wait3A_505 = tpu.memref_slice %arg9[%dma_wait3A_503, %dma_wait3A_504] : memref<2560x16xf32, #tpu.memory_space<vmem>> -> memref<128x16xf32, #tpu.memory_space<vmem>>
        %dma_wait3A_506 = arith.constant 0 : i32
        %dma_wait3A_507 = tpu.memref_slice %arg7[%dma_wait3A_502, %dma_wait3A_506] : memref<20x128xi32, #tpu.memory_space<vmem>> -> memref<1x128xi32, #tpu.memory_space<vmem>>
        %dma_wait3A_508 = tpu.memref_squeeze %dma_wait3A_507 : memref<1x128xi32, #tpu.memory_space<vmem>> -> memref<128xi32, #tpu.memory_space<vmem>>
        %dma_wait3A_509 = arith.constant 0 : i32
        %dma_wait3A_510 = arith.constant 0 : i32
        %dma_wait3A_511 = tpu.memref_slice %arg2[%dma_wait3A_509, %dma_wait3A_510] : memref<100000x16xf32, #tpu.memory_space<hbm>> -> memref<100000x16xf32, #tpu.memory_space<hbm>>
        tpu.wait_indirect_dma semaphore(%arg13 : memref<!tpu.dma_semaphore, #tpu.memory_space<semaphore_mem>>) src(%dma_wait3A_511 : memref<100000x16xf32, #tpu.memory_space<hbm>>) dst(%dma_wait3A_505 : memref<128x16xf32, #tpu.memory_space<vmem>>)
        %dma_wait3A_512 = arith.constant 4 : i32
        %dma_wait3A_513 = arith.constant 512 : i32
        %dma_wait3A_514 = arith.constant 0 : i32
        %dma_wait3A_515 = tpu.memref_slice %arg10[%dma_wait3A_513, %dma_wait3A_514] : memref<2560x16xf32, #tpu.memory_space<vmem>> -> memref<128x16xf32, #tpu.memory_space<vmem>>
        %dma_wait3A_516 = arith.constant 0 : i32
        %dma_wait3A_517 = tpu.memref_slice %arg8[%dma_wait3A_512, %dma_wait3A_516] : memref<20x128xi32, #tpu.memory_space<vmem>> -> memref<1x128xi32, #tpu.memory_space<vmem>>
        %dma_wait3A_518 = tpu.memref_squeeze %dma_wait3A_517 : memref<1x128xi32, #tpu.memory_space<vmem>> -> memref<128xi32, #tpu.memory_space<vmem>>
        %dma_wait3A_519 = arith.constant 0 : i32
        %dma_wait3A_520 = arith.constant 0 : i32
        %dma_wait3A_521 = tpu.memref_slice %arg2[%dma_wait3A_519, %dma_wait3A_520] : memref<100000x16xf32, #tpu.memory_space<hbm>> -> memref<100000x16xf32, #tpu.memory_space<hbm>>
        tpu.wait_indirect_dma semaphore(%arg13 : memref<!tpu.dma_semaphore, #tpu.memory_space<semaphore_mem>>) src(%dma_wait3A_521 : memref<100000x16xf32, #tpu.memory_space<hbm>>) dst(%dma_wait3A_515 : memref<128x16xf32, #tpu.memory_space<vmem>>)
        %dma_wait3A_522 = arith.constant 5 : i32
        %dma_wait3A_523 = arith.constant 640 : i32
        %dma_wait3A_524 = arith.constant 0 : i32
        %dma_wait3A_525 = tpu.memref_slice %arg9[%dma_wait3A_523, %dma_wait3A_524] : memref<2560x16xf32, #tpu.memory_space<vmem>> -> memref<128x16xf32, #tpu.memory_space<vmem>>
        %dma_wait3A_526 = arith.constant 0 : i32
        %dma_wait3A_527 = tpu.memref_slice %arg7[%dma_wait3A_522, %dma_wait3A_526] : memref<20x128xi32, #tpu.memory_space<vmem>> -> memref<1x128xi32, #tpu.memory_space<vmem>>
        %dma_wait3A_528 = tpu.memref_squeeze %dma_wait3A_527 : memref<1x128xi32, #tpu.memory_space<vmem>> -> memref<128xi32, #tpu.memory_space<vmem>>
        %dma_wait3A_529 = arith.constant 0 : i32
        %dma_wait3A_530 = arith.constant 0 : i32
        %dma_wait3A_531 = tpu.memref_slice %arg2[%dma_wait3A_529, %dma_wait3A_530] : memref<100000x16xf32, #tpu.memory_space<hbm>> -> memref<100000x16xf32, #tpu.memory_space<hbm>>
        tpu.wait_indirect_dma semaphore(%arg13 : memref<!tpu.dma_semaphore, #tpu.memory_space<semaphore_mem>>) src(%dma_wait3A_531 : memref<100000x16xf32, #tpu.memory_space<hbm>>) dst(%dma_wait3A_525 : memref<128x16xf32, #tpu.memory_space<vmem>>)
        %dma_wait3A_532 = arith.constant 5 : i32
        %dma_wait3A_533 = arith.constant 640 : i32
        %dma_wait3A_534 = arith.constant 0 : i32
        %dma_wait3A_535 = tpu.memref_slice %arg10[%dma_wait3A_533, %dma_wait3A_534] : memref<2560x16xf32, #tpu.memory_space<vmem>> -> memref<128x16xf32, #tpu.memory_space<vmem>>
        %dma_wait3A_536 = arith.constant 0 : i32
        %dma_wait3A_537 = tpu.memref_slice %arg8[%dma_wait3A_532, %dma_wait3A_536] : memref<20x128xi32, #tpu.memory_space<vmem>> -> memref<1x128xi32, #tpu.memory_space<vmem>>
        %dma_wait3A_538 = tpu.memref_squeeze %dma_wait3A_537 : memref<1x128xi32, #tpu.memory_space<vmem>> -> memref<128xi32, #tpu.memory_space<vmem>>
        %dma_wait3A_539 = arith.constant 0 : i32
        %dma_wait3A_540 = arith.constant 0 : i32
        %dma_wait3A_541 = tpu.memref_slice %arg2[%dma_wait3A_539, %dma_wait3A_540] : memref<100000x16xf32, #tpu.memory_space<hbm>> -> memref<100000x16xf32, #tpu.memory_space<hbm>>
        tpu.wait_indirect_dma semaphore(%arg13 : memref<!tpu.dma_semaphore, #tpu.memory_space<semaphore_mem>>) src(%dma_wait3A_541 : memref<100000x16xf32, #tpu.memory_space<hbm>>) dst(%dma_wait3A_535 : memref<128x16xf32, #tpu.memory_space<vmem>>)
        %dma_wait3A_542 = arith.constant 6 : i32
        %dma_wait3A_543 = arith.constant 768 : i32
        %dma_wait3A_544 = arith.constant 0 : i32
        %dma_wait3A_545 = tpu.memref_slice %arg9[%dma_wait3A_543, %dma_wait3A_544] : memref<2560x16xf32, #tpu.memory_space<vmem>> -> memref<128x16xf32, #tpu.memory_space<vmem>>
        %dma_wait3A_546 = arith.constant 0 : i32
        %dma_wait3A_547 = tpu.memref_slice %arg7[%dma_wait3A_542, %dma_wait3A_546] : memref<20x128xi32, #tpu.memory_space<vmem>> -> memref<1x128xi32, #tpu.memory_space<vmem>>
        %dma_wait3A_548 = tpu.memref_squeeze %dma_wait3A_547 : memref<1x128xi32, #tpu.memory_space<vmem>> -> memref<128xi32, #tpu.memory_space<vmem>>
        %dma_wait3A_549 = arith.constant 0 : i32
        %dma_wait3A_550 = arith.constant 0 : i32
        %dma_wait3A_551 = tpu.memref_slice %arg2[%dma_wait3A_549, %dma_wait3A_550] : memref<100000x16xf32, #tpu.memory_space<hbm>> -> memref<100000x16xf32, #tpu.memory_space<hbm>>
        tpu.wait_indirect_dma semaphore(%arg13 : memref<!tpu.dma_semaphore, #tpu.memory_space<semaphore_mem>>) src(%dma_wait3A_551 : memref<100000x16xf32, #tpu.memory_space<hbm>>) dst(%dma_wait3A_545 : memref<128x16xf32, #tpu.memory_space<vmem>>)
        %dma_wait3A_552 = arith.constant 6 : i32
        %dma_wait3A_553 = arith.constant 768 : i32
        %dma_wait3A_554 = arith.constant 0 : i32
        %dma_wait3A_555 = tpu.memref_slice %arg10[%dma_wait3A_553, %dma_wait3A_554] : memref<2560x16xf32, #tpu.memory_space<vmem>> -> memref<128x16xf32, #tpu.memory_space<vmem>>
        %dma_wait3A_556 = arith.constant 0 : i32
        %dma_wait3A_557 = tpu.memref_slice %arg8[%dma_wait3A_552, %dma_wait3A_556] : memref<20x128xi32, #tpu.memory_space<vmem>> -> memref<1x128xi32, #tpu.memory_space<vmem>>
        %dma_wait3A_558 = tpu.memref_squeeze %dma_wait3A_557 : memref<1x128xi32, #tpu.memory_space<vmem>> -> memref<128xi32, #tpu.memory_space<vmem>>
        %dma_wait3A_559 = arith.constant 0 : i32
        %dma_wait3A_560 = arith.constant 0 : i32
        %dma_wait3A_561 = tpu.memref_slice %arg2[%dma_wait3A_559, %dma_wait3A_560] : memref<100000x16xf32, #tpu.memory_space<hbm>> -> memref<100000x16xf32, #tpu.memory_space<hbm>>
        tpu.wait_indirect_dma semaphore(%arg13 : memref<!tpu.dma_semaphore, #tpu.memory_space<semaphore_mem>>) src(%dma_wait3A_561 : memref<100000x16xf32, #tpu.memory_space<hbm>>) dst(%dma_wait3A_555 : memref<128x16xf32, #tpu.memory_space<vmem>>)
        %dma_wait3A_562 = arith.constant 7 : i32
        %dma_wait3A_563 = arith.constant 896 : i32
        %dma_wait3A_564 = arith.constant 0 : i32
        %dma_wait3A_565 = tpu.memref_slice %arg9[%dma_wait3A_563, %dma_wait3A_564] : memref<2560x16xf32, #tpu.memory_space<vmem>> -> memref<128x16xf32, #tpu.memory_space<vmem>>
        %dma_wait3A_566 = arith.constant 0 : i32
        %dma_wait3A_567 = tpu.memref_slice %arg7[%dma_wait3A_562, %dma_wait3A_566] : memref<20x128xi32, #tpu.memory_space<vmem>> -> memref<1x128xi32, #tpu.memory_space<vmem>>
        %dma_wait3A_568 = tpu.memref_squeeze %dma_wait3A_567 : memref<1x128xi32, #tpu.memory_space<vmem>> -> memref<128xi32, #tpu.memory_space<vmem>>
        %dma_wait3A_569 = arith.constant 0 : i32
        %dma_wait3A_570 = arith.constant 0 : i32
        %dma_wait3A_571 = tpu.memref_slice %arg2[%dma_wait3A_569, %dma_wait3A_570] : memref<100000x16xf32, #tpu.memory_space<hbm>> -> memref<100000x16xf32, #tpu.memory_space<hbm>>
        tpu.wait_indirect_dma semaphore(%arg13 : memref<!tpu.dma_semaphore, #tpu.memory_space<semaphore_mem>>) src(%dma_wait3A_571 : memref<100000x16xf32, #tpu.memory_space<hbm>>) dst(%dma_wait3A_565 : memref<128x16xf32, #tpu.memory_space<vmem>>)
        %dma_wait3A_572 = arith.constant 7 : i32
        %dma_wait3A_573 = arith.constant 896 : i32
        %dma_wait3A_574 = arith.constant 0 : i32
        %dma_wait3A_575 = tpu.memref_slice %arg10[%dma_wait3A_573, %dma_wait3A_574] : memref<2560x16xf32, #tpu.memory_space<vmem>> -> memref<128x16xf32, #tpu.memory_space<vmem>>
        %dma_wait3A_576 = arith.constant 0 : i32
        %dma_wait3A_577 = tpu.memref_slice %arg8[%dma_wait3A_572, %dma_wait3A_576] : memref<20x128xi32, #tpu.memory_space<vmem>> -> memref<1x128xi32, #tpu.memory_space<vmem>>
        %dma_wait3A_578 = tpu.memref_squeeze %dma_wait3A_577 : memref<1x128xi32, #tpu.memory_space<vmem>> -> memref<128xi32, #tpu.memory_space<vmem>>
        %dma_wait3A_579 = arith.constant 0 : i32
        %dma_wait3A_580 = arith.constant 0 : i32
        %dma_wait3A_581 = tpu.memref_slice %arg2[%dma_wait3A_579, %dma_wait3A_580] : memref<100000x16xf32, #tpu.memory_space<hbm>> -> memref<100000x16xf32, #tpu.memory_space<hbm>>
        tpu.wait_indirect_dma semaphore(%arg13 : memref<!tpu.dma_semaphore, #tpu.memory_space<semaphore_mem>>) src(%dma_wait3A_581 : memref<100000x16xf32, #tpu.memory_space<hbm>>) dst(%dma_wait3A_575 : memref<128x16xf32, #tpu.memory_space<vmem>>)
        %dma_wait3A_582 = arith.constant 8 : i32
        %dma_wait3A_583 = arith.constant 1024 : i32
        %dma_wait3A_584 = arith.constant 0 : i32
        %dma_wait3A_585 = tpu.memref_slice %arg9[%dma_wait3A_583, %dma_wait3A_584] : memref<2560x16xf32, #tpu.memory_space<vmem>> -> memref<128x16xf32, #tpu.memory_space<vmem>>
        %dma_wait3A_586 = arith.constant 0 : i32
        %dma_wait3A_587 = tpu.memref_slice %arg7[%dma_wait3A_582, %dma_wait3A_586] : memref<20x128xi32, #tpu.memory_space<vmem>> -> memref<1x128xi32, #tpu.memory_space<vmem>>
        %dma_wait3A_588 = tpu.memref_squeeze %dma_wait3A_587 : memref<1x128xi32, #tpu.memory_space<vmem>> -> memref<128xi32, #tpu.memory_space<vmem>>
        %dma_wait3A_589 = arith.constant 0 : i32
        %dma_wait3A_590 = arith.constant 0 : i32
        %dma_wait3A_591 = tpu.memref_slice %arg2[%dma_wait3A_589, %dma_wait3A_590] : memref<100000x16xf32, #tpu.memory_space<hbm>> -> memref<100000x16xf32, #tpu.memory_space<hbm>>
        tpu.wait_indirect_dma semaphore(%arg13 : memref<!tpu.dma_semaphore, #tpu.memory_space<semaphore_mem>>) src(%dma_wait3A_591 : memref<100000x16xf32, #tpu.memory_space<hbm>>) dst(%dma_wait3A_585 : memref<128x16xf32, #tpu.memory_space<vmem>>)
        %dma_wait3A_592 = arith.constant 8 : i32
        %dma_wait3A_593 = arith.constant 1024 : i32
        %dma_wait3A_594 = arith.constant 0 : i32
        %dma_wait3A_595 = tpu.memref_slice %arg10[%dma_wait3A_593, %dma_wait3A_594] : memref<2560x16xf32, #tpu.memory_space<vmem>> -> memref<128x16xf32, #tpu.memory_space<vmem>>
        %dma_wait3A_596 = arith.constant 0 : i32
        %dma_wait3A_597 = tpu.memref_slice %arg8[%dma_wait3A_592, %dma_wait3A_596] : memref<20x128xi32, #tpu.memory_space<vmem>> -> memref<1x128xi32, #tpu.memory_space<vmem>>
        %dma_wait3A_598 = tpu.memref_squeeze %dma_wait3A_597 : memref<1x128xi32, #tpu.memory_space<vmem>> -> memref<128xi32, #tpu.memory_space<vmem>>
        %dma_wait3A_599 = arith.constant 0 : i32
        %dma_wait3A_600 = arith.constant 0 : i32
        %dma_wait3A_601 = tpu.memref_slice %arg2[%dma_wait3A_599, %dma_wait3A_600] : memref<100000x16xf32, #tpu.memory_space<hbm>> -> memref<100000x16xf32, #tpu.memory_space<hbm>>
        tpu.wait_indirect_dma semaphore(%arg13 : memref<!tpu.dma_semaphore, #tpu.memory_space<semaphore_mem>>) src(%dma_wait3A_601 : memref<100000x16xf32, #tpu.memory_space<hbm>>) dst(%dma_wait3A_595 : memref<128x16xf32, #tpu.memory_space<vmem>>)
        %dma_wait3A_602 = arith.constant 9 : i32
        %dma_wait3A_603 = arith.constant 1152 : i32
        %dma_wait3A_604 = arith.constant 0 : i32
        %dma_wait3A_605 = tpu.memref_slice %arg9[%dma_wait3A_603, %dma_wait3A_604] : memref<2560x16xf32, #tpu.memory_space<vmem>> -> memref<128x16xf32, #tpu.memory_space<vmem>>
        %dma_wait3A_606 = arith.constant 0 : i32
        %dma_wait3A_607 = tpu.memref_slice %arg7[%dma_wait3A_602, %dma_wait3A_606] : memref<20x128xi32, #tpu.memory_space<vmem>> -> memref<1x128xi32, #tpu.memory_space<vmem>>
        %dma_wait3A_608 = tpu.memref_squeeze %dma_wait3A_607 : memref<1x128xi32, #tpu.memory_space<vmem>> -> memref<128xi32, #tpu.memory_space<vmem>>
        %dma_wait3A_609 = arith.constant 0 : i32
        %dma_wait3A_610 = arith.constant 0 : i32
        %dma_wait3A_611 = tpu.memref_slice %arg2[%dma_wait3A_609, %dma_wait3A_610] : memref<100000x16xf32, #tpu.memory_space<hbm>> -> memref<100000x16xf32, #tpu.memory_space<hbm>>
        tpu.wait_indirect_dma semaphore(%arg13 : memref<!tpu.dma_semaphore, #tpu.memory_space<semaphore_mem>>) src(%dma_wait3A_611 : memref<100000x16xf32, #tpu.memory_space<hbm>>) dst(%dma_wait3A_605 : memref<128x16xf32, #tpu.memory_space<vmem>>)
        %dma_wait3A_612 = arith.constant 9 : i32
        %dma_wait3A_613 = arith.constant 1152 : i32
        %dma_wait3A_614 = arith.constant 0 : i32
        %dma_wait3A_615 = tpu.memref_slice %arg10[%dma_wait3A_613, %dma_wait3A_614] : memref<2560x16xf32, #tpu.memory_space<vmem>> -> memref<128x16xf32, #tpu.memory_space<vmem>>
        %dma_wait3A_616 = arith.constant 0 : i32
        %dma_wait3A_617 = tpu.memref_slice %arg8[%dma_wait3A_612, %dma_wait3A_616] : memref<20x128xi32, #tpu.memory_space<vmem>> -> memref<1x128xi32, #tpu.memory_space<vmem>>
        %dma_wait3A_618 = tpu.memref_squeeze %dma_wait3A_617 : memref<1x128xi32, #tpu.memory_space<vmem>> -> memref<128xi32, #tpu.memory_space<vmem>>
        %dma_wait3A_619 = arith.constant 0 : i32
        %dma_wait3A_620 = arith.constant 0 : i32
        %dma_wait3A_621 = tpu.memref_slice %arg2[%dma_wait3A_619, %dma_wait3A_620] : memref<100000x16xf32, #tpu.memory_space<hbm>> -> memref<100000x16xf32, #tpu.memory_space<hbm>>
        tpu.wait_indirect_dma semaphore(%arg13 : memref<!tpu.dma_semaphore, #tpu.memory_space<semaphore_mem>>) src(%dma_wait3A_621 : memref<100000x16xf32, #tpu.memory_space<hbm>>) dst(%dma_wait3A_615 : memref<128x16xf32, #tpu.memory_space<vmem>>)
        %dma_wait3A_622 = arith.constant 10 : i32
        %dma_wait3A_623 = arith.constant 1280 : i32
        %dma_wait3A_624 = arith.constant 0 : i32
        %dma_wait3A_625 = tpu.memref_slice %arg9[%dma_wait3A_623, %dma_wait3A_624] : memref<2560x16xf32, #tpu.memory_space<vmem>> -> memref<128x16xf32, #tpu.memory_space<vmem>>
        %dma_wait3A_626 = arith.constant 0 : i32
        %dma_wait3A_627 = tpu.memref_slice %arg7[%dma_wait3A_622, %dma_wait3A_626] : memref<20x128xi32, #tpu.memory_space<vmem>> -> memref<1x128xi32, #tpu.memory_space<vmem>>
        %dma_wait3A_628 = tpu.memref_squeeze %dma_wait3A_627 : memref<1x128xi32, #tpu.memory_space<vmem>> -> memref<128xi32, #tpu.memory_space<vmem>>
        %dma_wait3A_629 = arith.constant 0 : i32
        %dma_wait3A_630 = arith.constant 0 : i32
        %dma_wait3A_631 = tpu.memref_slice %arg2[%dma_wait3A_629, %dma_wait3A_630] : memref<100000x16xf32, #tpu.memory_space<hbm>> -> memref<100000x16xf32, #tpu.memory_space<hbm>>
        tpu.wait_indirect_dma semaphore(%arg13 : memref<!tpu.dma_semaphore, #tpu.memory_space<semaphore_mem>>) src(%dma_wait3A_631 : memref<100000x16xf32, #tpu.memory_space<hbm>>) dst(%dma_wait3A_625 : memref<128x16xf32, #tpu.memory_space<vmem>>)
        %dma_wait3A_632 = arith.constant 10 : i32
        %dma_wait3A_633 = arith.constant 1280 : i32
        %dma_wait3A_634 = arith.constant 0 : i32
        %dma_wait3A_635 = tpu.memref_slice %arg10[%dma_wait3A_633, %dma_wait3A_634] : memref<2560x16xf32, #tpu.memory_space<vmem>> -> memref<128x16xf32, #tpu.memory_space<vmem>>
        %dma_wait3A_636 = arith.constant 0 : i32
        %dma_wait3A_637 = tpu.memref_slice %arg8[%dma_wait3A_632, %dma_wait3A_636] : memref<20x128xi32, #tpu.memory_space<vmem>> -> memref<1x128xi32, #tpu.memory_space<vmem>>
        %dma_wait3A_638 = tpu.memref_squeeze %dma_wait3A_637 : memref<1x128xi32, #tpu.memory_space<vmem>> -> memref<128xi32, #tpu.memory_space<vmem>>
        %dma_wait3A_639 = arith.constant 0 : i32
        %dma_wait3A_640 = arith.constant 0 : i32
        %dma_wait3A_641 = tpu.memref_slice %arg2[%dma_wait3A_639, %dma_wait3A_640] : memref<100000x16xf32, #tpu.memory_space<hbm>> -> memref<100000x16xf32, #tpu.memory_space<hbm>>
        tpu.wait_indirect_dma semaphore(%arg13 : memref<!tpu.dma_semaphore, #tpu.memory_space<semaphore_mem>>) src(%dma_wait3A_641 : memref<100000x16xf32, #tpu.memory_space<hbm>>) dst(%dma_wait3A_635 : memref<128x16xf32, #tpu.memory_space<vmem>>)
        %dma_wait3A_642 = arith.constant 11 : i32
        %dma_wait3A_643 = arith.constant 1408 : i32
        %dma_wait3A_644 = arith.constant 0 : i32
        %dma_wait3A_645 = tpu.memref_slice %arg9[%dma_wait3A_643, %dma_wait3A_644] : memref<2560x16xf32, #tpu.memory_space<vmem>> -> memref<128x16xf32, #tpu.memory_space<vmem>>
        %dma_wait3A_646 = arith.constant 0 : i32
        %dma_wait3A_647 = tpu.memref_slice %arg7[%dma_wait3A_642, %dma_wait3A_646] : memref<20x128xi32, #tpu.memory_space<vmem>> -> memref<1x128xi32, #tpu.memory_space<vmem>>
        %dma_wait3A_648 = tpu.memref_squeeze %dma_wait3A_647 : memref<1x128xi32, #tpu.memory_space<vmem>> -> memref<128xi32, #tpu.memory_space<vmem>>
        %dma_wait3A_649 = arith.constant 0 : i32
        %dma_wait3A_650 = arith.constant 0 : i32
        %dma_wait3A_651 = tpu.memref_slice %arg2[%dma_wait3A_649, %dma_wait3A_650] : memref<100000x16xf32, #tpu.memory_space<hbm>> -> memref<100000x16xf32, #tpu.memory_space<hbm>>
        tpu.wait_indirect_dma semaphore(%arg13 : memref<!tpu.dma_semaphore, #tpu.memory_space<semaphore_mem>>) src(%dma_wait3A_651 : memref<100000x16xf32, #tpu.memory_space<hbm>>) dst(%dma_wait3A_645 : memref<128x16xf32, #tpu.memory_space<vmem>>)
        %dma_wait3A_652 = arith.constant 11 : i32
        %dma_wait3A_653 = arith.constant 1408 : i32
        %dma_wait3A_654 = arith.constant 0 : i32
        %dma_wait3A_655 = tpu.memref_slice %arg10[%dma_wait3A_653, %dma_wait3A_654] : memref<2560x16xf32, #tpu.memory_space<vmem>> -> memref<128x16xf32, #tpu.memory_space<vmem>>
        %dma_wait3A_656 = arith.constant 0 : i32
        %dma_wait3A_657 = tpu.memref_slice %arg8[%dma_wait3A_652, %dma_wait3A_656] : memref<20x128xi32, #tpu.memory_space<vmem>> -> memref<1x128xi32, #tpu.memory_space<vmem>>
        %dma_wait3A_658 = tpu.memref_squeeze %dma_wait3A_657 : memref<1x128xi32, #tpu.memory_space<vmem>> -> memref<128xi32, #tpu.memory_space<vmem>>
        %dma_wait3A_659 = arith.constant 0 : i32
        %dma_wait3A_660 = arith.constant 0 : i32
        %dma_wait3A_661 = tpu.memref_slice %arg2[%dma_wait3A_659, %dma_wait3A_660] : memref<100000x16xf32, #tpu.memory_space<hbm>> -> memref<100000x16xf32, #tpu.memory_space<hbm>>
        tpu.wait_indirect_dma semaphore(%arg13 : memref<!tpu.dma_semaphore, #tpu.memory_space<semaphore_mem>>) src(%dma_wait3A_661 : memref<100000x16xf32, #tpu.memory_space<hbm>>) dst(%dma_wait3A_655 : memref<128x16xf32, #tpu.memory_space<vmem>>)
        %dma_wait3A_662 = arith.constant 12 : i32
        %dma_wait3A_663 = arith.constant 1536 : i32
        %dma_wait3A_664 = arith.constant 0 : i32
        %dma_wait3A_665 = tpu.memref_slice %arg9[%dma_wait3A_663, %dma_wait3A_664] : memref<2560x16xf32, #tpu.memory_space<vmem>> -> memref<128x16xf32, #tpu.memory_space<vmem>>
        %dma_wait3A_666 = arith.constant 0 : i32
        %dma_wait3A_667 = tpu.memref_slice %arg7[%dma_wait3A_662, %dma_wait3A_666] : memref<20x128xi32, #tpu.memory_space<vmem>> -> memref<1x128xi32, #tpu.memory_space<vmem>>
        %dma_wait3A_668 = tpu.memref_squeeze %dma_wait3A_667 : memref<1x128xi32, #tpu.memory_space<vmem>> -> memref<128xi32, #tpu.memory_space<vmem>>
        %dma_wait3A_669 = arith.constant 0 : i32
        %dma_wait3A_670 = arith.constant 0 : i32
        %dma_wait3A_671 = tpu.memref_slice %arg2[%dma_wait3A_669, %dma_wait3A_670] : memref<100000x16xf32, #tpu.memory_space<hbm>> -> memref<100000x16xf32, #tpu.memory_space<hbm>>
        tpu.wait_indirect_dma semaphore(%arg13 : memref<!tpu.dma_semaphore, #tpu.memory_space<semaphore_mem>>) src(%dma_wait3A_671 : memref<100000x16xf32, #tpu.memory_space<hbm>>) dst(%dma_wait3A_665 : memref<128x16xf32, #tpu.memory_space<vmem>>)
        %dma_wait3A_672 = arith.constant 12 : i32
        %dma_wait3A_673 = arith.constant 1536 : i32
        %dma_wait3A_674 = arith.constant 0 : i32
        %dma_wait3A_675 = tpu.memref_slice %arg10[%dma_wait3A_673, %dma_wait3A_674] : memref<2560x16xf32, #tpu.memory_space<vmem>> -> memref<128x16xf32, #tpu.memory_space<vmem>>
        %dma_wait3A_676 = arith.constant 0 : i32
        %dma_wait3A_677 = tpu.memref_slice %arg8[%dma_wait3A_672, %dma_wait3A_676] : memref<20x128xi32, #tpu.memory_space<vmem>> -> memref<1x128xi32, #tpu.memory_space<vmem>>
        %dma_wait3A_678 = tpu.memref_squeeze %dma_wait3A_677 : memref<1x128xi32, #tpu.memory_space<vmem>> -> memref<128xi32, #tpu.memory_space<vmem>>
        %dma_wait3A_679 = arith.constant 0 : i32
        %dma_wait3A_680 = arith.constant 0 : i32
        %dma_wait3A_681 = tpu.memref_slice %arg2[%dma_wait3A_679, %dma_wait3A_680] : memref<100000x16xf32, #tpu.memory_space<hbm>> -> memref<100000x16xf32, #tpu.memory_space<hbm>>
        tpu.wait_indirect_dma semaphore(%arg13 : memref<!tpu.dma_semaphore, #tpu.memory_space<semaphore_mem>>) src(%dma_wait3A_681 : memref<100000x16xf32, #tpu.memory_space<hbm>>) dst(%dma_wait3A_675 : memref<128x16xf32, #tpu.memory_space<vmem>>)
        %dma_wait3A_682 = arith.constant 13 : i32
        %dma_wait3A_683 = arith.constant 1664 : i32
        %dma_wait3A_684 = arith.constant 0 : i32
        %dma_wait3A_685 = tpu.memref_slice %arg9[%dma_wait3A_683, %dma_wait3A_684] : memref<2560x16xf32, #tpu.memory_space<vmem>> -> memref<128x16xf32, #tpu.memory_space<vmem>>
        %dma_wait3A_686 = arith.constant 0 : i32
        %dma_wait3A_687 = tpu.memref_slice %arg7[%dma_wait3A_682, %dma_wait3A_686] : memref<20x128xi32, #tpu.memory_space<vmem>> -> memref<1x128xi32, #tpu.memory_space<vmem>>
        %dma_wait3A_688 = tpu.memref_squeeze %dma_wait3A_687 : memref<1x128xi32, #tpu.memory_space<vmem>> -> memref<128xi32, #tpu.memory_space<vmem>>
        %dma_wait3A_689 = arith.constant 0 : i32
        %dma_wait3A_690 = arith.constant 0 : i32
        %dma_wait3A_691 = tpu.memref_slice %arg2[%dma_wait3A_689, %dma_wait3A_690] : memref<100000x16xf32, #tpu.memory_space<hbm>> -> memref<100000x16xf32, #tpu.memory_space<hbm>>
        tpu.wait_indirect_dma semaphore(%arg13 : memref<!tpu.dma_semaphore, #tpu.memory_space<semaphore_mem>>) src(%dma_wait3A_691 : memref<100000x16xf32, #tpu.memory_space<hbm>>) dst(%dma_wait3A_685 : memref<128x16xf32, #tpu.memory_space<vmem>>)
        %dma_wait3A_692 = arith.constant 13 : i32
        %dma_wait3A_693 = arith.constant 1664 : i32
        %dma_wait3A_694 = arith.constant 0 : i32
        %dma_wait3A_695 = tpu.memref_slice %arg10[%dma_wait3A_693, %dma_wait3A_694] : memref<2560x16xf32, #tpu.memory_space<vmem>> -> memref<128x16xf32, #tpu.memory_space<vmem>>
        %dma_wait3A_696 = arith.constant 0 : i32
        %dma_wait3A_697 = tpu.memref_slice %arg8[%dma_wait3A_692, %dma_wait3A_696] : memref<20x128xi32, #tpu.memory_space<vmem>> -> memref<1x128xi32, #tpu.memory_space<vmem>>
        %dma_wait3A_698 = tpu.memref_squeeze %dma_wait3A_697 : memref<1x128xi32, #tpu.memory_space<vmem>> -> memref<128xi32, #tpu.memory_space<vmem>>
        %dma_wait3A_699 = arith.constant 0 : i32
        %dma_wait3A_700 = arith.constant 0 : i32
        %dma_wait3A_701 = tpu.memref_slice %arg2[%dma_wait3A_699, %dma_wait3A_700] : memref<100000x16xf32, #tpu.memory_space<hbm>> -> memref<100000x16xf32, #tpu.memory_space<hbm>>
        tpu.wait_indirect_dma semaphore(%arg13 : memref<!tpu.dma_semaphore, #tpu.memory_space<semaphore_mem>>) src(%dma_wait3A_701 : memref<100000x16xf32, #tpu.memory_space<hbm>>) dst(%dma_wait3A_695 : memref<128x16xf32, #tpu.memory_space<vmem>>)
        %dma_wait3A_702 = arith.constant 14 : i32
        %dma_wait3A_703 = arith.constant 1792 : i32
        %dma_wait3A_704 = arith.constant 0 : i32
        %dma_wait3A_705 = tpu.memref_slice %arg9[%dma_wait3A_703, %dma_wait3A_704] : memref<2560x16xf32, #tpu.memory_space<vmem>> -> memref<128x16xf32, #tpu.memory_space<vmem>>
        %dma_wait3A_706 = arith.constant 0 : i32
        %dma_wait3A_707 = tpu.memref_slice %arg7[%dma_wait3A_702, %dma_wait3A_706] : memref<20x128xi32, #tpu.memory_space<vmem>> -> memref<1x128xi32, #tpu.memory_space<vmem>>
        %dma_wait3A_708 = tpu.memref_squeeze %dma_wait3A_707 : memref<1x128xi32, #tpu.memory_space<vmem>> -> memref<128xi32, #tpu.memory_space<vmem>>
        %dma_wait3A_709 = arith.constant 0 : i32
        %dma_wait3A_710 = arith.constant 0 : i32
        %dma_wait3A_711 = tpu.memref_slice %arg2[%dma_wait3A_709, %dma_wait3A_710] : memref<100000x16xf32, #tpu.memory_space<hbm>> -> memref<100000x16xf32, #tpu.memory_space<hbm>>
        tpu.wait_indirect_dma semaphore(%arg13 : memref<!tpu.dma_semaphore, #tpu.memory_space<semaphore_mem>>) src(%dma_wait3A_711 : memref<100000x16xf32, #tpu.memory_space<hbm>>) dst(%dma_wait3A_705 : memref<128x16xf32, #tpu.memory_space<vmem>>)
        %dma_wait3A_712 = arith.constant 14 : i32
        %dma_wait3A_713 = arith.constant 1792 : i32
        %dma_wait3A_714 = arith.constant 0 : i32
        %dma_wait3A_715 = tpu.memref_slice %arg10[%dma_wait3A_713, %dma_wait3A_714] : memref<2560x16xf32, #tpu.memory_space<vmem>> -> memref<128x16xf32, #tpu.memory_space<vmem>>
        %dma_wait3A_716 = arith.constant 0 : i32
        %dma_wait3A_717 = tpu.memref_slice %arg8[%dma_wait3A_712, %dma_wait3A_716] : memref<20x128xi32, #tpu.memory_space<vmem>> -> memref<1x128xi32, #tpu.memory_space<vmem>>
        %dma_wait3A_718 = tpu.memref_squeeze %dma_wait3A_717 : memref<1x128xi32, #tpu.memory_space<vmem>> -> memref<128xi32, #tpu.memory_space<vmem>>
        %dma_wait3A_719 = arith.constant 0 : i32
        %dma_wait3A_720 = arith.constant 0 : i32
        %dma_wait3A_721 = tpu.memref_slice %arg2[%dma_wait3A_719, %dma_wait3A_720] : memref<100000x16xf32, #tpu.memory_space<hbm>> -> memref<100000x16xf32, #tpu.memory_space<hbm>>
        tpu.wait_indirect_dma semaphore(%arg13 : memref<!tpu.dma_semaphore, #tpu.memory_space<semaphore_mem>>) src(%dma_wait3A_721 : memref<100000x16xf32, #tpu.memory_space<hbm>>) dst(%dma_wait3A_715 : memref<128x16xf32, #tpu.memory_space<vmem>>)
        %dma_wait3A_722 = arith.constant 15 : i32
        %dma_wait3A_723 = arith.constant 1920 : i32
        %dma_wait3A_724 = arith.constant 0 : i32
        %dma_wait3A_725 = tpu.memref_slice %arg9[%dma_wait3A_723, %dma_wait3A_724] : memref<2560x16xf32, #tpu.memory_space<vmem>> -> memref<128x16xf32, #tpu.memory_space<vmem>>
        %dma_wait3A_726 = arith.constant 0 : i32
        %dma_wait3A_727 = tpu.memref_slice %arg7[%dma_wait3A_722, %dma_wait3A_726] : memref<20x128xi32, #tpu.memory_space<vmem>> -> memref<1x128xi32, #tpu.memory_space<vmem>>
        %dma_wait3A_728 = tpu.memref_squeeze %dma_wait3A_727 : memref<1x128xi32, #tpu.memory_space<vmem>> -> memref<128xi32, #tpu.memory_space<vmem>>
        %dma_wait3A_729 = arith.constant 0 : i32
        %dma_wait3A_730 = arith.constant 0 : i32
        %dma_wait3A_731 = tpu.memref_slice %arg2[%dma_wait3A_729, %dma_wait3A_730] : memref<100000x16xf32, #tpu.memory_space<hbm>> -> memref<100000x16xf32, #tpu.memory_space<hbm>>
        tpu.wait_indirect_dma semaphore(%arg13 : memref<!tpu.dma_semaphore, #tpu.memory_space<semaphore_mem>>) src(%dma_wait3A_731 : memref<100000x16xf32, #tpu.memory_space<hbm>>) dst(%dma_wait3A_725 : memref<128x16xf32, #tpu.memory_space<vmem>>)
        %dma_wait3A_732 = arith.constant 15 : i32
        %dma_wait3A_733 = arith.constant 1920 : i32
        %dma_wait3A_734 = arith.constant 0 : i32
        %dma_wait3A_735 = tpu.memref_slice %arg10[%dma_wait3A_733, %dma_wait3A_734] : memref<2560x16xf32, #tpu.memory_space<vmem>> -> memref<128x16xf32, #tpu.memory_space<vmem>>
        %dma_wait3A_736 = arith.constant 0 : i32
        %dma_wait3A_737 = tpu.memref_slice %arg8[%dma_wait3A_732, %dma_wait3A_736] : memref<20x128xi32, #tpu.memory_space<vmem>> -> memref<1x128xi32, #tpu.memory_space<vmem>>
        %dma_wait3A_738 = tpu.memref_squeeze %dma_wait3A_737 : memref<1x128xi32, #tpu.memory_space<vmem>> -> memref<128xi32, #tpu.memory_space<vmem>>
        %dma_wait3A_739 = arith.constant 0 : i32
        %dma_wait3A_740 = arith.constant 0 : i32
        %dma_wait3A_741 = tpu.memref_slice %arg2[%dma_wait3A_739, %dma_wait3A_740] : memref<100000x16xf32, #tpu.memory_space<hbm>> -> memref<100000x16xf32, #tpu.memory_space<hbm>>
        tpu.wait_indirect_dma semaphore(%arg13 : memref<!tpu.dma_semaphore, #tpu.memory_space<semaphore_mem>>) src(%dma_wait3A_741 : memref<100000x16xf32, #tpu.memory_space<hbm>>) dst(%dma_wait3A_735 : memref<128x16xf32, #tpu.memory_space<vmem>>)
        %dma_wait3A_742 = arith.constant 16 : i32
        %dma_wait3A_743 = arith.constant 2048 : i32
        %dma_wait3A_744 = arith.constant 0 : i32
        %dma_wait3A_745 = tpu.memref_slice %arg9[%dma_wait3A_743, %dma_wait3A_744] : memref<2560x16xf32, #tpu.memory_space<vmem>> -> memref<128x16xf32, #tpu.memory_space<vmem>>
        %dma_wait3A_746 = arith.constant 0 : i32
        %dma_wait3A_747 = tpu.memref_slice %arg7[%dma_wait3A_742, %dma_wait3A_746] : memref<20x128xi32, #tpu.memory_space<vmem>> -> memref<1x128xi32, #tpu.memory_space<vmem>>
        %dma_wait3A_748 = tpu.memref_squeeze %dma_wait3A_747 : memref<1x128xi32, #tpu.memory_space<vmem>> -> memref<128xi32, #tpu.memory_space<vmem>>
        %dma_wait3A_749 = arith.constant 0 : i32
        %dma_wait3A_750 = arith.constant 0 : i32
        %dma_wait3A_751 = tpu.memref_slice %arg2[%dma_wait3A_749, %dma_wait3A_750] : memref<100000x16xf32, #tpu.memory_space<hbm>> -> memref<100000x16xf32, #tpu.memory_space<hbm>>
        tpu.wait_indirect_dma semaphore(%arg13 : memref<!tpu.dma_semaphore, #tpu.memory_space<semaphore_mem>>) src(%dma_wait3A_751 : memref<100000x16xf32, #tpu.memory_space<hbm>>) dst(%dma_wait3A_745 : memref<128x16xf32, #tpu.memory_space<vmem>>)
        %dma_wait3A_752 = arith.constant 16 : i32
        %dma_wait3A_753 = arith.constant 2048 : i32
        %dma_wait3A_754 = arith.constant 0 : i32
        %dma_wait3A_755 = tpu.memref_slice %arg10[%dma_wait3A_753, %dma_wait3A_754] : memref<2560x16xf32, #tpu.memory_space<vmem>> -> memref<128x16xf32, #tpu.memory_space<vmem>>
        %dma_wait3A_756 = arith.constant 0 : i32
        %dma_wait3A_757 = tpu.memref_slice %arg8[%dma_wait3A_752, %dma_wait3A_756] : memref<20x128xi32, #tpu.memory_space<vmem>> -> memref<1x128xi32, #tpu.memory_space<vmem>>
        %dma_wait3A_758 = tpu.memref_squeeze %dma_wait3A_757 : memref<1x128xi32, #tpu.memory_space<vmem>> -> memref<128xi32, #tpu.memory_space<vmem>>
        %dma_wait3A_759 = arith.constant 0 : i32
        %dma_wait3A_760 = arith.constant 0 : i32
        %dma_wait3A_761 = tpu.memref_slice %arg2[%dma_wait3A_759, %dma_wait3A_760] : memref<100000x16xf32, #tpu.memory_space<hbm>> -> memref<100000x16xf32, #tpu.memory_space<hbm>>
        tpu.wait_indirect_dma semaphore(%arg13 : memref<!tpu.dma_semaphore, #tpu.memory_space<semaphore_mem>>) src(%dma_wait3A_761 : memref<100000x16xf32, #tpu.memory_space<hbm>>) dst(%dma_wait3A_755 : memref<128x16xf32, #tpu.memory_space<vmem>>)
        %dma_wait3A_762 = arith.constant 17 : i32
        %dma_wait3A_763 = arith.constant 2176 : i32
        %dma_wait3A_764 = arith.constant 0 : i32
        %dma_wait3A_765 = tpu.memref_slice %arg9[%dma_wait3A_763, %dma_wait3A_764] : memref<2560x16xf32, #tpu.memory_space<vmem>> -> memref<128x16xf32, #tpu.memory_space<vmem>>
        %dma_wait3A_766 = arith.constant 0 : i32
        %dma_wait3A_767 = tpu.memref_slice %arg7[%dma_wait3A_762, %dma_wait3A_766] : memref<20x128xi32, #tpu.memory_space<vmem>> -> memref<1x128xi32, #tpu.memory_space<vmem>>
        %dma_wait3A_768 = tpu.memref_squeeze %dma_wait3A_767 : memref<1x128xi32, #tpu.memory_space<vmem>> -> memref<128xi32, #tpu.memory_space<vmem>>
        %dma_wait3A_769 = arith.constant 0 : i32
        %dma_wait3A_770 = arith.constant 0 : i32
        %dma_wait3A_771 = tpu.memref_slice %arg2[%dma_wait3A_769, %dma_wait3A_770] : memref<100000x16xf32, #tpu.memory_space<hbm>> -> memref<100000x16xf32, #tpu.memory_space<hbm>>
        tpu.wait_indirect_dma semaphore(%arg13 : memref<!tpu.dma_semaphore, #tpu.memory_space<semaphore_mem>>) src(%dma_wait3A_771 : memref<100000x16xf32, #tpu.memory_space<hbm>>) dst(%dma_wait3A_765 : memref<128x16xf32, #tpu.memory_space<vmem>>)
        %dma_wait3A_772 = arith.constant 17 : i32
        %dma_wait3A_773 = arith.constant 2176 : i32
        %dma_wait3A_774 = arith.constant 0 : i32
        %dma_wait3A_775 = tpu.memref_slice %arg10[%dma_wait3A_773, %dma_wait3A_774] : memref<2560x16xf32, #tpu.memory_space<vmem>> -> memref<128x16xf32, #tpu.memory_space<vmem>>
        %dma_wait3A_776 = arith.constant 0 : i32
        %dma_wait3A_777 = tpu.memref_slice %arg8[%dma_wait3A_772, %dma_wait3A_776] : memref<20x128xi32, #tpu.memory_space<vmem>> -> memref<1x128xi32, #tpu.memory_space<vmem>>
        %dma_wait3A_778 = tpu.memref_squeeze %dma_wait3A_777 : memref<1x128xi32, #tpu.memory_space<vmem>> -> memref<128xi32, #tpu.memory_space<vmem>>
        %dma_wait3A_779 = arith.constant 0 : i32
        %dma_wait3A_780 = arith.constant 0 : i32
        %dma_wait3A_781 = tpu.memref_slice %arg2[%dma_wait3A_779, %dma_wait3A_780] : memref<100000x16xf32, #tpu.memory_space<hbm>> -> memref<100000x16xf32, #tpu.memory_space<hbm>>
        tpu.wait_indirect_dma semaphore(%arg13 : memref<!tpu.dma_semaphore, #tpu.memory_space<semaphore_mem>>) src(%dma_wait3A_781 : memref<100000x16xf32, #tpu.memory_space<hbm>>) dst(%dma_wait3A_775 : memref<128x16xf32, #tpu.memory_space<vmem>>)
        %dma_wait3A_782 = arith.constant 18 : i32
        %dma_wait3A_783 = arith.constant 2304 : i32
        %dma_wait3A_784 = arith.constant 0 : i32
        %dma_wait3A_785 = tpu.memref_slice %arg9[%dma_wait3A_783, %dma_wait3A_784] : memref<2560x16xf32, #tpu.memory_space<vmem>> -> memref<128x16xf32, #tpu.memory_space<vmem>>
        %dma_wait3A_786 = arith.constant 0 : i32
        %dma_wait3A_787 = tpu.memref_slice %arg7[%dma_wait3A_782, %dma_wait3A_786] : memref<20x128xi32, #tpu.memory_space<vmem>> -> memref<1x128xi32, #tpu.memory_space<vmem>>
        %dma_wait3A_788 = tpu.memref_squeeze %dma_wait3A_787 : memref<1x128xi32, #tpu.memory_space<vmem>> -> memref<128xi32, #tpu.memory_space<vmem>>
        %dma_wait3A_789 = arith.constant 0 : i32
        %dma_wait3A_790 = arith.constant 0 : i32
        %dma_wait3A_791 = tpu.memref_slice %arg2[%dma_wait3A_789, %dma_wait3A_790] : memref<100000x16xf32, #tpu.memory_space<hbm>> -> memref<100000x16xf32, #tpu.memory_space<hbm>>
        tpu.wait_indirect_dma semaphore(%arg13 : memref<!tpu.dma_semaphore, #tpu.memory_space<semaphore_mem>>) src(%dma_wait3A_791 : memref<100000x16xf32, #tpu.memory_space<hbm>>) dst(%dma_wait3A_785 : memref<128x16xf32, #tpu.memory_space<vmem>>)
        %dma_wait3A_792 = arith.constant 18 : i32
        %dma_wait3A_793 = arith.constant 2304 : i32
        %dma_wait3A_794 = arith.constant 0 : i32
        %dma_wait3A_795 = tpu.memref_slice %arg10[%dma_wait3A_793, %dma_wait3A_794] : memref<2560x16xf32, #tpu.memory_space<vmem>> -> memref<128x16xf32, #tpu.memory_space<vmem>>
        %dma_wait3A_796 = arith.constant 0 : i32
        %dma_wait3A_797 = tpu.memref_slice %arg8[%dma_wait3A_792, %dma_wait3A_796] : memref<20x128xi32, #tpu.memory_space<vmem>> -> memref<1x128xi32, #tpu.memory_space<vmem>>
        %dma_wait3A_798 = tpu.memref_squeeze %dma_wait3A_797 : memref<1x128xi32, #tpu.memory_space<vmem>> -> memref<128xi32, #tpu.memory_space<vmem>>
        %dma_wait3A_799 = arith.constant 0 : i32
        %dma_wait3A_800 = arith.constant 0 : i32
        %dma_wait3A_801 = tpu.memref_slice %arg2[%dma_wait3A_799, %dma_wait3A_800] : memref<100000x16xf32, #tpu.memory_space<hbm>> -> memref<100000x16xf32, #tpu.memory_space<hbm>>
        tpu.wait_indirect_dma semaphore(%arg13 : memref<!tpu.dma_semaphore, #tpu.memory_space<semaphore_mem>>) src(%dma_wait3A_801 : memref<100000x16xf32, #tpu.memory_space<hbm>>) dst(%dma_wait3A_795 : memref<128x16xf32, #tpu.memory_space<vmem>>)
        %dma_wait3A_802 = arith.constant 19 : i32
        %dma_wait3A_803 = arith.constant 2432 : i32
        %dma_wait3A_804 = arith.constant 0 : i32
        %dma_wait3A_805 = tpu.memref_slice %arg9[%dma_wait3A_803, %dma_wait3A_804] : memref<2560x16xf32, #tpu.memory_space<vmem>> -> memref<128x16xf32, #tpu.memory_space<vmem>>
        %dma_wait3A_806 = arith.constant 0 : i32
        %dma_wait3A_807 = tpu.memref_slice %arg7[%dma_wait3A_802, %dma_wait3A_806] : memref<20x128xi32, #tpu.memory_space<vmem>> -> memref<1x128xi32, #tpu.memory_space<vmem>>
        %dma_wait3A_808 = tpu.memref_squeeze %dma_wait3A_807 : memref<1x128xi32, #tpu.memory_space<vmem>> -> memref<128xi32, #tpu.memory_space<vmem>>
        %dma_wait3A_809 = arith.constant 0 : i32
        %dma_wait3A_810 = arith.constant 0 : i32
        %dma_wait3A_811 = tpu.memref_slice %arg2[%dma_wait3A_809, %dma_wait3A_810] : memref<100000x16xf32, #tpu.memory_space<hbm>> -> memref<100000x16xf32, #tpu.memory_space<hbm>>
        tpu.wait_indirect_dma semaphore(%arg13 : memref<!tpu.dma_semaphore, #tpu.memory_space<semaphore_mem>>) src(%dma_wait3A_811 : memref<100000x16xf32, #tpu.memory_space<hbm>>) dst(%dma_wait3A_805 : memref<128x16xf32, #tpu.memory_space<vmem>>)
        %dma_wait3A_812 = arith.constant 19 : i32
        %dma_wait3A_813 = arith.constant 2432 : i32
        %dma_wait3A_814 = arith.constant 0 : i32
        %dma_wait3A_815 = tpu.memref_slice %arg10[%dma_wait3A_813, %dma_wait3A_814] : memref<2560x16xf32, #tpu.memory_space<vmem>> -> memref<128x16xf32, #tpu.memory_space<vmem>>
        %dma_wait3A_816 = arith.constant 0 : i32
        %dma_wait3A_817 = tpu.memref_slice %arg8[%dma_wait3A_812, %dma_wait3A_816] : memref<20x128xi32, #tpu.memory_space<vmem>> -> memref<1x128xi32, #tpu.memory_space<vmem>>
        %dma_wait3A_818 = tpu.memref_squeeze %dma_wait3A_817 : memref<1x128xi32, #tpu.memory_space<vmem>> -> memref<128xi32, #tpu.memory_space<vmem>>
        %dma_wait3A_819 = arith.constant 0 : i32
        %dma_wait3A_820 = arith.constant 0 : i32
        %dma_wait3A_821 = tpu.memref_slice %arg2[%dma_wait3A_819, %dma_wait3A_820] : memref<100000x16xf32, #tpu.memory_space<hbm>> -> memref<100000x16xf32, #tpu.memory_space<hbm>>
        tpu.wait_indirect_dma semaphore(%arg13 : memref<!tpu.dma_semaphore, #tpu.memory_space<semaphore_mem>>) src(%dma_wait3A_821 : memref<100000x16xf32, #tpu.memory_space<hbm>>) dst(%dma_wait3A_815 : memref<128x16xf32, #tpu.memory_space<vmem>>)
        %scan3A_822 = arith.constant 0 : i32
        %scan3A_823 = arith.constant 160 : i32
        %scan3A_824 = arith.addi %scan3A_822, %scan3A_823 : i32
        %scan3A_825 = arith.constant 1 : i32
        scf.for %scan3A_840 = %scan3A_822 to %scan3A_824 step %scan3A_825  : i32 {
          %mul3A_841 = arith.constant 16 : i32
          %mul3A_842 = arith.muli %scan3A_840, %mul3A_841 : i32
          %add3A_843 = arith.constant 0 : i32
          %add3A_844 = arith.addi %add3A_843, %mul3A_842 : i32
          %add3A_845 = vector.broadcast %add3A_844 : i32 to vector<16xi32>
          %add3A_846 = arith.addi %iota3A, %add3A_845 : vector<16xi32>
          %gather3A = tpu.vector_load_idx %arg9[%add3A_846, %broadcast_in_dim3A_1] : memref<2560x16xf32, #tpu.memory_space<vmem>>[vector<16xi32>, vector<16xi32>], vector<16xf32>,
          %gather3A_847 = tpu.vector_load_idx %arg9[%add3A_846, %broadcast_in_dim3A_3] : memref<2560x16xf32, #tpu.memory_space<vmem>>[vector<16xi32>, vector<16xi32>], vector<16xf32>,
          %gather3A_848 = tpu.vector_load_idx %arg9[%add3A_846, %broadcast_in_dim3A_5] : memref<2560x16xf32, #tpu.memory_space<vmem>>[vector<16xi32>, vector<16xi32>], vector<16xf32>,
          %gather3A_849 = tpu.vector_load_idx %arg10[%add3A_846, %broadcast_in_dim3A_1] : memref<2560x16xf32, #tpu.memory_space<vmem>>[vector<16xi32>, vector<16xi32>], vector<16xf32>,
          %gather3A_850 = tpu.vector_load_idx %arg10[%add3A_846, %broadcast_in_dim3A_3] : memref<2560x16xf32, #tpu.memory_space<vmem>>[vector<16xi32>, vector<16xi32>], vector<16xf32>,
          %gather3A_851 = tpu.vector_load_idx %arg10[%add3A_846, %broadcast_in_dim3A_5] : memref<2560x16xf32, #tpu.memory_space<vmem>>[vector<16xi32>, vector<16xi32>], vector<16xf32>,
          %sub3A = arith.subf %gather3A_849, %gather3A : vector<16xf32>
          %sub3A_852 = arith.subf %gather3A_850, %gather3A_847 : vector<16xf32>
          %sub3A_853 = arith.subf %gather3A_851, %gather3A_848 : vector<16xf32>
          %mul3A_854 = arith.mulf %sub3A, %sub3A : vector<16xf32>
          %mul3A_855 = arith.mulf %sub3A_852, %sub3A_852 : vector<16xf32>
          %add3A_856 = arith.addf %mul3A_854, %mul3A_855 : vector<16xf32>
          %mul3A_857 = arith.mulf %sub3A_853, %sub3A_853 : vector<16xf32>
          %add3A_858 = arith.addf %add3A_856, %mul3A_857 : vector<16xf32>
          %max3A = arith.constant 1.000000e-24 : f32
          %max3A_859 = vector.broadcast %max3A : f32 to vector<16xf32>
          %max3A_860 = arith.maximumf %add3A_858, %max3A_859 : vector<16xf32>
          %bitcast3A = vector.bitcast %max3A_860 : vector<16xf32> to vector<16xi32>
          %shift_right_logical3A = arith.constant 1 : i32
          %shift_right_logical3A_861 = vector.broadcast %shift_right_logical3A : i32 to vector<16xi32>
          %shift_right_logical3A_862 = arith.shrui %bitcast3A, %shift_right_logical3A_861 : vector<16xi32>
          %sub3A_863 = arith.constant 1597463007 : i32
          %sub3A_864 = vector.broadcast %sub3A_863 : i32 to vector<16xi32>
          %sub3A_865 = arith.subi %sub3A_864, %shift_right_logical3A_862 : vector<16xi32>
          %bitcast3A_866 = vector.bitcast %sub3A_865 : vector<16xi32> to vector<16xf32>
          %mul3A_867 = arith.constant 5.000000e-01 : f32
          %mul3A_868 = vector.broadcast %mul3A_867 : f32 to vector<16xf32>
          %mul3A_869 = arith.mulf %mul3A_868, %max3A_860 : vector<16xf32>
          %mul3A_870 = arith.mulf %mul3A_869, %bitcast3A_866 : vector<16xf32>
          %mul3A_871 = arith.mulf %mul3A_870, %bitcast3A_866 : vector<16xf32>
          %sub3A_872 = arith.constant 1.500000e+00 : f32
          %sub3A_873 = vector.broadcast %sub3A_872 : f32 to vector<16xf32>
          %sub3A_874 = arith.subf %sub3A_873, %mul3A_871 : vector<16xf32>
          %mul3A_875 = arith.mulf %bitcast3A_866, %sub3A_874 : vector<16xf32>
          %mul3A_876 = arith.mulf %mul3A_869, %mul3A_875 : vector<16xf32>
          %mul3A_877 = arith.mulf %mul3A_876, %mul3A_875 : vector<16xf32>
          %sub3A_878 = arith.constant 1.500000e+00 : f32
          %sub3A_879 = vector.broadcast %sub3A_878 : f32 to vector<16xf32>
          %sub3A_880 = arith.subf %sub3A_879, %mul3A_877 : vector<16xf32>
          %mul3A_881 = arith.mulf %mul3A_875, %sub3A_880 : vector<16xf32>
          %mul3A_882 = arith.mulf %mul3A_869, %mul3A_881 : vector<16xf32>
          %mul3A_883 = arith.mulf %mul3A_882, %mul3A_881 : vector<16xf32>
          %sub3A_884 = arith.constant 1.500000e+00 : f32
          %sub3A_885 = vector.broadcast %sub3A_884 : f32 to vector<16xf32>
          %sub3A_886 = arith.subf %sub3A_885, %mul3A_883 : vector<16xf32>
          %mul3A_887 = arith.mulf %mul3A_881, %sub3A_886 : vector<16xf32>
          %shift_right_logical3A_888 = arith.constant 7 : i32
          %shift_right_logical3A_889 = vector.broadcast %shift_right_logical3A_888 : i32 to vector<16xi32>
          %shift_right_logical3A_890 = arith.shrui %add3A_846, %shift_right_logical3A_889 : vector<16xi32>
          %and3A = arith.andi %add3A_846, %broadcast_in_dim3A_7 : vector<16xi32>
          %mul3A_891 = arith.mulf %max3A_860, %mul3A_887 : vector<16xf32>
          tpu.vector_store_idx %arg11[%shift_right_logical3A_890, %and3A], %mul3A_891 : memref<20x128xf32, #tpu.memory_space<vmem>>[vector<16xi32>, vector<16xi32>], vector<16xf32>,
          %mul3A_892 = arith.mulf %sub3A, %mul3A_887 : vector<16xf32>
          tpu.vector_store_idx %arg12[%broadcast_in_dim3A_1, %shift_right_logical3A_890, %and3A], %mul3A_892 : memref<3x20x128xf32, #tpu.memory_space<vmem>>[vector<16xi32>, vector<16xi32>, vector<16xi32>], vector<16xf32>,
          %mul3A_893 = arith.mulf %sub3A_852, %mul3A_887 : vector<16xf32>
          tpu.vector_store_idx %arg12[%broadcast_in_dim3A_3, %shift_right_logical3A_890, %and3A], %mul3A_893 : memref<3x20x128xf32, #tpu.memory_space<vmem>>[vector<16xi32>, vector<16xi32>, vector<16xi32>], vector<16xf32>,
          %mul3A_894 = arith.mulf %sub3A_853, %mul3A_887 : vector<16xf32>
          tpu.vector_store_idx %arg12[%broadcast_in_dim3A_5, %shift_right_logical3A_890, %and3A], %mul3A_894 : memref<3x20x128xf32, #tpu.memory_space<vmem>>[vector<16xi32>, vector<16xi32>, vector<16xi32>], vector<16xf32>,
        }
        %scan3A_826 = arith.constant 160 : i32
        %mul3A_827 = arith.constant 20 : i32
        %mul3A_828 = arith.muli %add3A_19, %mul3A_827 : i32
        "tpu.region"() ({
          %run_scoped3A_840 = tpu.sem_alloc : memref<!tpu.dma_semaphore, #tpu.memory_space<semaphore_mem>>
          %dma_start3A_841 = arith.constant 0 : i32
          %dma_start3A_842 = tpu.memref_slice %arg5[%mul3A_828, %dma_start3A_841] : memref<25000x128xf32, #tpu.memory_space<hbm>> -> memref<20x128xf32, #tpu.memory_space<hbm>>
          %dma_start3A_843 = arith.constant 0 : i32
          %dma_start3A_844 = tpu.memref_slice %arg5[%mul3A_828, %dma_start3A_843] : memref<25000x128xf32, #tpu.memory_space<hbm>> -> memref<20x128xf32, #tpu.memory_space<hbm>>
          tpu.enqueue_dma source(%arg11 : memref<20x128xf32, #tpu.memory_space<vmem>>) target(%dma_start3A_844 : memref<20x128xf32, #tpu.memory_space<hbm>>) target_semaphore(%run_scoped3A_840 : memref<!tpu.dma_semaphore, #tpu.memory_space<semaphore_mem>>)
          %dma_wait3A_845 = arith.constant 0 : i32
          %dma_wait3A_846 = tpu.memref_slice %arg5[%mul3A_828, %dma_wait3A_845] : memref<25000x128xf32, #tpu.memory_space<hbm>> -> memref<20x128xf32, #tpu.memory_space<hbm>>
          %dma_wait3A_847 = arith.constant 0 : i32
          %dma_wait3A_848 = tpu.memref_slice %arg5[%mul3A_828, %dma_wait3A_847] : memref<25000x128xf32, #tpu.memory_space<hbm>> -> memref<20x128xf32, #tpu.memory_space<hbm>>
          tpu.wait_dma2 semaphore(%run_scoped3A_840 : memref<!tpu.dma_semaphore, #tpu.memory_space<semaphore_mem>>) src(%arg11 : memref<20x128xf32, #tpu.memory_space<vmem>>) dst(%dma_wait3A_848 : memref<20x128xf32, #tpu.memory_space<hbm>>)
          tpu.yield
        }) : () -> ()
        %mul3A_829 = arith.constant 20 : i32
        %mul3A_830 = arith.muli %add3A_19, %mul3A_829 : i32
        %run_scoped3A = arith.constant 0 : i32
        %run_scoped3A_831 = arith.constant 0 : i32
        "tpu.region"() ({
          %run_scoped3A_840 = tpu.sem_alloc : memref<!tpu.dma_semaphore, #tpu.memory_space<semaphore_mem>>
          %dma_start3A_841 = arith.constant 0 : i32
          %dma_start3A_842 = arith.constant 0 : i32
          %dma_start3A_843 = tpu.memref_slice %arg12[%run_scoped3A, %dma_start3A_841, %dma_start3A_842] : memref<3x20x128xf32, #tpu.memory_space<vmem>> -> memref<1x20x128xf32, #tpu.memory_space<vmem>>
          %dma_start3A_844 = tpu.memref_squeeze %dma_start3A_843 : memref<1x20x128xf32, #tpu.memory_space<vmem>> -> memref<20x128xf32, #tpu.memory_space<vmem>>
          %dma_start3A_845 = arith.constant 0 : i32
          %dma_start3A_846 = tpu.memref_slice %arg6[%run_scoped3A_831, %mul3A_830, %dma_start3A_845] : memref<3x25000x128xf32, #tpu.memory_space<hbm>> -> memref<1x20x128xf32, #tpu.memory_space<hbm>>
          %dma_start3A_847 = tpu.memref_squeeze %dma_start3A_846 : memref<1x20x128xf32, #tpu.memory_space<hbm>> -> memref<20x128xf32, #tpu.memory_space<hbm>>
          %dma_start3A_848 = arith.constant 0 : i32
          %dma_start3A_849 = tpu.memref_slice %arg6[%run_scoped3A_831, %mul3A_830, %dma_start3A_848] : memref<3x25000x128xf32, #tpu.memory_space<hbm>> -> memref<1x20x128xf32, #tpu.memory_space<hbm>>
          %dma_start3A_850 = tpu.memref_squeeze %dma_start3A_849 : memref<1x20x128xf32, #tpu.memory_space<hbm>> -> memref<20x128xf32, #tpu.memory_space<hbm>>
          %dma_start3A_851 = arith.constant 0 : i32
          %dma_start3A_852 = arith.constant 0 : i32
          %dma_start3A_853 = tpu.memref_slice %arg12[%run_scoped3A, %dma_start3A_851, %dma_start3A_852] : memref<3x20x128xf32, #tpu.memory_space<vmem>> -> memref<1x20x128xf32, #tpu.memory_space<vmem>>
          %dma_start3A_854 = tpu.memref_squeeze %dma_start3A_853 : memref<1x20x128xf32, #tpu.memory_space<vmem>> -> memref<20x128xf32, #tpu.memory_space<vmem>>
          tpu.enqueue_dma source(%dma_start3A_854 : memref<20x128xf32, #tpu.memory_space<vmem>>) target(%dma_start3A_850 : memref<20x128xf32, #tpu.memory_space<hbm>>) target_semaphore(%run_scoped3A_840 : memref<!tpu.dma_semaphore, #tpu.memory_space<semaphore_mem>>)
          %dma_wait3A_855 = arith.constant 0 : i32
          %dma_wait3A_856 = arith.constant 0 : i32
          %dma_wait3A_857 = tpu.memref_slice %arg12[%run_scoped3A, %dma_wait3A_855, %dma_wait3A_856] : memref<3x20x128xf32, #tpu.memory_space<vmem>> -> memref<1x20x128xf32, #tpu.memory_space<vmem>>
          %dma_wait3A_858 = tpu.memref_squeeze %dma_wait3A_857 : memref<1x20x128xf32, #tpu.memory_space<vmem>> -> memref<20x128xf32, #tpu.memory_space<vmem>>
          %dma_wait3A_859 = arith.constant 0 : i32
          %dma_wait3A_860 = tpu.memref_slice %arg6[%run_scoped3A_831, %mul3A_830, %dma_wait3A_859] : memref<3x25000x128xf32, #tpu.memory_space<hbm>> -> memref<1x20x128xf32, #tpu.memory_space<hbm>>
          %dma_wait3A_861 = tpu.memref_squeeze %dma_wait3A_860 : memref<1x20x128xf32, #tpu.memory_space<hbm>> -> memref<20x128xf32, #tpu.memory_space<hbm>>
          %dma_wait3A_862 = arith.constant 0 : i32
          %dma_wait3A_863 = tpu.memref_slice %arg6[%run_scoped3A_831, %mul3A_830, %dma_wait3A_862] : memref<3x25000x128xf32, #tpu.memory_space<hbm>> -> memref<1x20x128xf32, #tpu.memory_space<hbm>>
          %dma_wait3A_864 = tpu.memref_squeeze %dma_wait3A_863 : memref<1x20x128xf32, #tpu.memory_space<hbm>> -> memref<20x128xf32, #tpu.memory_space<hbm>>
          %dma_wait3A_865 = arith.constant 0 : i32
          %dma_wait3A_866 = arith.constant 0 : i32
          %dma_wait3A_867 = tpu.memref_slice %arg12[%run_scoped3A, %dma_wait3A_865, %dma_wait3A_866] : memref<3x20x128xf32, #tpu.memory_space<vmem>> -> memref<1x20x128xf32, #tpu.memory_space<vmem>>
          %dma_wait3A_868 = tpu.memref_squeeze %dma_wait3A_867 : memref<1x20x128xf32, #tpu.memory_space<vmem>> -> memref<20x128xf32, #tpu.memory_space<vmem>>
          tpu.wait_dma2 semaphore(%run_scoped3A_840 : memref<!tpu.dma_semaphore, #tpu.memory_space<semaphore_mem>>) src(%dma_wait3A_868 : memref<20x128xf32, #tpu.memory_space<vmem>>) dst(%dma_wait3A_864 : memref<20x128xf32, #tpu.memory_space<hbm>>)
          tpu.yield
        }) : () -> ()
        %mul3A_832 = arith.constant 20 : i32
        %mul3A_833 = arith.muli %add3A_19, %mul3A_832 : i32
        %run_scoped3A_834 = arith.constant 1 : i32
        %run_scoped3A_835 = arith.constant 1 : i32
        "tpu.region"() ({
          %run_scoped3A_840 = tpu.sem_alloc : memref<!tpu.dma_semaphore, #tpu.memory_space<semaphore_mem>>
          %dma_start3A_841 = arith.constant 0 : i32
          %dma_start3A_842 = arith.constant 0 : i32
          %dma_start3A_843 = tpu.memref_slice %arg12[%run_scoped3A_834, %dma_start3A_841, %dma_start3A_842] : memref<3x20x128xf32, #tpu.memory_space<vmem>> -> memref<1x20x128xf32, #tpu.memory_space<vmem>>
          %dma_start3A_844 = tpu.memref_squeeze %dma_start3A_843 : memref<1x20x128xf32, #tpu.memory_space<vmem>> -> memref<20x128xf32, #tpu.memory_space<vmem>>
          %dma_start3A_845 = arith.constant 0 : i32
          %dma_start3A_846 = tpu.memref_slice %arg6[%run_scoped3A_835, %mul3A_833, %dma_start3A_845] : memref<3x25000x128xf32, #tpu.memory_space<hbm>> -> memref<1x20x128xf32, #tpu.memory_space<hbm>>
          %dma_start3A_847 = tpu.memref_squeeze %dma_start3A_846 : memref<1x20x128xf32, #tpu.memory_space<hbm>> -> memref<20x128xf32, #tpu.memory_space<hbm>>
          %dma_start3A_848 = arith.constant 0 : i32
          %dma_start3A_849 = tpu.memref_slice %arg6[%run_scoped3A_835, %mul3A_833, %dma_start3A_848] : memref<3x25000x128xf32, #tpu.memory_space<hbm>> -> memref<1x20x128xf32, #tpu.memory_space<hbm>>
          %dma_start3A_850 = tpu.memref_squeeze %dma_start3A_849 : memref<1x20x128xf32, #tpu.memory_space<hbm>> -> memref<20x128xf32, #tpu.memory_space<hbm>>
          %dma_start3A_851 = arith.constant 0 : i32
          %dma_start3A_852 = arith.constant 0 : i32
          %dma_start3A_853 = tpu.memref_slice %arg12[%run_scoped3A_834, %dma_start3A_851, %dma_start3A_852] : memref<3x20x128xf32, #tpu.memory_space<vmem>> -> memref<1x20x128xf32, #tpu.memory_space<vmem>>
          %dma_start3A_854 = tpu.memref_squeeze %dma_start3A_853 : memref<1x20x128xf32, #tpu.memory_space<vmem>> -> memref<20x128xf32, #tpu.memory_space<vmem>>
          tpu.enqueue_dma source(%dma_start3A_854 : memref<20x128xf32, #tpu.memory_space<vmem>>) target(%dma_start3A_850 : memref<20x128xf32, #tpu.memory_space<hbm>>) target_semaphore(%run_scoped3A_840 : memref<!tpu.dma_semaphore, #tpu.memory_space<semaphore_mem>>)
          %dma_wait3A_855 = arith.constant 0 : i32
          %dma_wait3A_856 = arith.constant 0 : i32
          %dma_wait3A_857 = tpu.memref_slice %arg12[%run_scoped3A_834, %dma_wait3A_855, %dma_wait3A_856] : memref<3x20x128xf32, #tpu.memory_space<vmem>> -> memref<1x20x128xf32, #tpu.memory_space<vmem>>
          %dma_wait3A_858 = tpu.memref_squeeze %dma_wait3A_857 : memref<1x20x128xf32, #tpu.memory_space<vmem>> -> memref<20x128xf32, #tpu.memory_space<vmem>>
          %dma_wait3A_859 = arith.constant 0 : i32
          %dma_wait3A_860 = tpu.memref_slice %arg6[%run_scoped3A_835, %mul3A_833, %dma_wait3A_859] : memref<3x25000x128xf32, #tpu.memory_space<hbm>> -> memref<1x20x128xf32, #tpu.memory_space<hbm>>
          %dma_wait3A_861 = tpu.memref_squeeze %dma_wait3A_860 : memref<1x20x128xf32, #tpu.memory_space<hbm>> -> memref<20x128xf32, #tpu.memory_space<hbm>>
          %dma_wait3A_862 = arith.constant 0 : i32
          %dma_wait3A_863 = tpu.memref_slice %arg6[%run_scoped3A_835, %mul3A_833, %dma_wait3A_862] : memref<3x25000x128xf32, #tpu.memory_space<hbm>> -> memref<1x20x128xf32, #tpu.memory_space<hbm>>
          %dma_wait3A_864 = tpu.memref_squeeze %dma_wait3A_863 : memref<1x20x128xf32, #tpu.memory_space<hbm>> -> memref<20x128xf32, #tpu.memory_space<hbm>>
          %dma_wait3A_865 = arith.constant 0 : i32
          %dma_wait3A_866 = arith.constant 0 : i32
          %dma_wait3A_867 = tpu.memref_slice %arg12[%run_scoped3A_834, %dma_wait3A_865, %dma_wait3A_866] : memref<3x20x128xf32, #tpu.memory_space<vmem>> -> memref<1x20x128xf32, #tpu.memory_space<vmem>>
          %dma_wait3A_868 = tpu.memref_squeeze %dma_wait3A_867 : memref<1x20x128xf32, #tpu.memory_space<vmem>> -> memref<20x128xf32, #tpu.memory_space<vmem>>
          tpu.wait_dma2 semaphore(%run_scoped3A_840 : memref<!tpu.dma_semaphore, #tpu.memory_space<semaphore_mem>>) src(%dma_wait3A_868 : memref<20x128xf32, #tpu.memory_space<vmem>>) dst(%dma_wait3A_864 : memref<20x128xf32, #tpu.memory_space<hbm>>)
          tpu.yield
        }) : () -> ()
        %mul3A_836 = arith.constant 20 : i32
        %mul3A_837 = arith.muli %add3A_19, %mul3A_836 : i32
        %run_scoped3A_838 = arith.constant 2 : i32
        %run_scoped3A_839 = arith.constant 2 : i32
        "tpu.region"() ({
          %run_scoped3A_840 = tpu.sem_alloc : memref<!tpu.dma_semaphore, #tpu.memory_space<semaphore_mem>>
          %dma_start3A_841 = arith.constant 0 : i32
          %dma_start3A_842 = arith.constant 0 : i32
          %dma_start3A_843 = tpu.memref_slice %arg12[%run_scoped3A_838, %dma_start3A_841, %dma_start3A_842] : memref<3x20x128xf32, #tpu.memory_space<vmem>> -> memref<1x20x128xf32, #tpu.memory_space<vmem>>
          %dma_start3A_844 = tpu.memref_squeeze %dma_start3A_843 : memref<1x20x128xf32, #tpu.memory_space<vmem>> -> memref<20x128xf32, #tpu.memory_space<vmem>>
          %dma_start3A_845 = arith.constant 0 : i32
          %dma_start3A_846 = tpu.memref_slice %arg6[%run_scoped3A_839, %mul3A_837, %dma_start3A_845] : memref<3x25000x128xf32, #tpu.memory_space<hbm>> -> memref<1x20x128xf32, #tpu.memory_space<hbm>>
          %dma_start3A_847 = tpu.memref_squeeze %dma_start3A_846 : memref<1x20x128xf32, #tpu.memory_space<hbm>> -> memref<20x128xf32, #tpu.memory_space<hbm>>
          %dma_start3A_848 = arith.constant 0 : i32
          %dma_start3A_849 = tpu.memref_slice %arg6[%run_scoped3A_839, %mul3A_837, %dma_start3A_848] : memref<3x25000x128xf32, #tpu.memory_space<hbm>> -> memref<1x20x128xf32, #tpu.memory_space<hbm>>
          %dma_start3A_850 = tpu.memref_squeeze %dma_start3A_849 : memref<1x20x128xf32, #tpu.memory_space<hbm>> -> memref<20x128xf32, #tpu.memory_space<hbm>>
          %dma_start3A_851 = arith.constant 0 : i32
          %dma_start3A_852 = arith.constant 0 : i32
          %dma_start3A_853 = tpu.memref_slice %arg12[%run_scoped3A_838, %dma_start3A_851, %dma_start3A_852] : memref<3x20x128xf32, #tpu.memory_space<vmem>> -> memref<1x20x128xf32, #tpu.memory_space<vmem>>
          %dma_start3A_854 = tpu.memref_squeeze %dma_start3A_853 : memref<1x20x128xf32, #tpu.memory_space<vmem>> -> memref<20x128xf32, #tpu.memory_space<vmem>>
          tpu.enqueue_dma source(%dma_start3A_854 : memref<20x128xf32, #tpu.memory_space<vmem>>) target(%dma_start3A_850 : memref<20x128xf32, #tpu.memory_space<hbm>>) target_semaphore(%run_scoped3A_840 : memref<!tpu.dma_semaphore, #tpu.memory_space<semaphore_mem>>)
          %dma_wait3A_855 = arith.constant 0 : i32
          %dma_wait3A_856 = arith.constant 0 : i32
          %dma_wait3A_857 = tpu.memref_slice %arg12[%run_scoped3A_838, %dma_wait3A_855, %dma_wait3A_856] : memref<3x20x128xf32, #tpu.memory_space<vmem>> -> memref<1x20x128xf32, #tpu.memory_space<vmem>>
          %dma_wait3A_858 = tpu.memref_squeeze %dma_wait3A_857 : memref<1x20x128xf32, #tpu.memory_space<vmem>> -> memref<20x128xf32, #tpu.memory_space<vmem>>
          %dma_wait3A_859 = arith.constant 0 : i32
          %dma_wait3A_860 = tpu.memref_slice %arg6[%run_scoped3A_839, %mul3A_837, %dma_wait3A_859] : memref<3x25000x128xf32, #tpu.memory_space<hbm>> -> memref<1x20x128xf32, #tpu.memory_space<hbm>>
          %dma_wait3A_861 = tpu.memref_squeeze %dma_wait3A_860 : memref<1x20x128xf32, #tpu.memory_space<hbm>> -> memref<20x128xf32, #tpu.memory_space<hbm>>
          %dma_wait3A_862 = arith.constant 0 : i32
          %dma_wait3A_863 = tpu.memref_slice %arg6[%run_scoped3A_839, %mul3A_837, %dma_wait3A_862] : memref<3x25000x128xf32, #tpu.memory_space<hbm>> -> memref<1x20x128xf32, #tpu.memory_space<hbm>>
          %dma_wait3A_864 = tpu.memref_squeeze %dma_wait3A_863 : memref<1x20x128xf32, #tpu.memory_space<hbm>> -> memref<20x128xf32, #tpu.memory_space<hbm>>
          %dma_wait3A_865 = arith.constant 0 : i32
          %dma_wait3A_866 = arith.constant 0 : i32
          %dma_wait3A_867 = tpu.memref_slice %arg12[%run_scoped3A_838, %dma_wait3A_865, %dma_wait3A_866] : memref<3x20x128xf32, #tpu.memory_space<vmem>> -> memref<1x20x128xf32, #tpu.memory_space<vmem>>
          %dma_wait3A_868 = tpu.memref_squeeze %dma_wait3A_867 : memref<1x20x128xf32, #tpu.memory_space<vmem>> -> memref<20x128xf32, #tpu.memory_space<vmem>>
          tpu.wait_dma2 semaphore(%run_scoped3A_840 : memref<!tpu.dma_semaphore, #tpu.memory_space<semaphore_mem>>) src(%dma_wait3A_868 : memref<20x128xf32, #tpu.memory_space<vmem>>) dst(%dma_wait3A_864 : memref<20x128xf32, #tpu.memory_space<hbm>>)
          tpu.yield
        }) : () -> ()
      } else {
      }
    }
    %scan3A_11 = arith.constant 40 : i32
    return
  }
}

</mosaic_0001>

<sc_bundles>
// kernel: _sc_gather_norm.3.cloned.1.call-start
scs
__scs_entry_jumppad:
0x0: {  	(pc) =	sbr.rel $0x88, $3  }
0x1: {  	(tag) =	ssettag $0x0;
	lr =	simm.s32 $0x1  }
0x2: {  	[smem:$0x3F9E] =	sst lr;
	_ =	strace $0xD0000000  }
0x3: {  	_ = 	snop  }
0x4: {  	_ = 	snop  }
0x5: {  	_ = 	snop  }
0x6: {  	_ = 	snop  }
0x7: {  	_ = 	snop  }
__scs_overlays_trampoline_lowered:
0x8: {  	[smem:$0x3FAD] =	sst s0  }
0x9: {  	[smem:$0x3FAE] =	sst s1  }
0xa: {  	[smem:$0x3FAF] =	sst s2  }
0xb: {  	[smem:$0x3FB0] =	sst s3  }
0xc: {  	[smem:$0x3FB1] =	sst s4  }
0xd: {  	[smem:$0x3FB2] =	sst s5  }
0xe: {  	[smem:$0x3FB3] =	sst s6  }
0xf: {  	[smem:$0x3FB4] =	sst s7  }
0x10: {  	[smem:$0x3FB5] =	sst s8  }
0x11: {  	[smem:$0x3FB6] =	sst s9;
	s0 =	simm.s32 @!p0 $0x0  }
0x12: {  	s1 =	sld [smem:$0x3F9C];
	s0 =	simm.s32 @p0 $0x1  }
0x13: {  	[smem:$0x3FB7] =	sst s0;
	s0 =	simm.s32 @!p1 $0x0  }
0x14: {  	s2 =	sld [smem:$0x3F9B];
	s0 =	simm.s32 @p1 $0x1  }
0x15: {  	[smem:$0x3FB8] =	sst s0;
	s0 =	simm.s32 @!p2 $0x0  }
0x16: {  	s3 =	sld [smem:$0x3FDB];
	s0 =	simm.s32 @p2 $0x1  }
0x17: {  	s4 =	simm.s32 $0x1BF5;
	[smem:$0x3FBA] =	sst s0  }
0x18: {  	s0 =	sld [smem:$0x3F9D];
	_ =	swait.ge [sflag:s4], $0x0  }
0x19: {  	s7 =	sld [smem:$0x3F9E]  }
0x1a: {  	s8 =	sadd.s32 $0xFFFFE003, lr  }
0x1b: {  	s9 =	sadd.s32 $0xFFFFFEF7, lr;
	s5 =	simm.s32 $0xFFFFFFFF;
	p2 =	slt.u32 s8, $0xFFFFF086  }
0x1c: {  	p1 =	slt.u32 s9, $0xF7A;
	s5 =	simm.s32 @!p2 $0x0  }
0x1d: {  	s5 =	simm.s32 @p1 $0x1;
	p0 =	seq.s32 s7, s2  }
0x1e: {  	s7 =	smul.u32 @!p0 $0xF7A, s2;
	p2 =	seq.s32 @!p0 s5, $0x0  }
0x1f: {  	s9 =	smul.u32 $0xF7A, s1;
	s8 =	simm.s32 @!p0 $0x1BF5;
	p2 =	por !p2, p0  }
0x20: {  	[sflag:s8] =	ssyncset.s32 @!p0 $0xFFFFF086;
	s6 =	sadd.s32 @!p0 s3, s7;
	s7 =	simm.s32 @!p0 $0x108  }
0x21: {  	s3 =	sadd.s32 s3, s9;
	s6 =	sadd.s32 @!p0 $0x88, s6;
	s7 =	simm.s32 @p2 $0x1082  }
0x22: {  	[simem:s7], [sflag:s8] =	dma.local @!p0 [hbm:s6], $0xF7A  }
0x23: {  	s9 =	sor.u32 $0xD0000000, s2;
	s6 =	simm.s32 $0x108;
	_ =	swait.ge @!p0 [sflag:s8], $0x0  }
0x24: {  	s3 =	sadd.s32 $0x88, s3;
	s6 =	simm.s32 @!p1 $0x1082;
	[sflag:s4] =	ssyncset.s32 $0xFFFFF086  }
0x25: {  	[simem:s6], [sflag:s4] =	dma.local [hbm:s3], $0xF7A  }
0x26: {  	[smem:$0x3F9E] =	sst s1;
	(tag) =	ssettag s2;
	_ =	strace s9  }
0x27: {  	s1 =	sld [smem:$0x3FAE]  }
0x28: {  	s2 =	sld [smem:$0x3FAF]  }
0x29: {  	s4 =	sld [smem:$0x3FB1]  }
0x2a: {  	p0 =	seq.s32 s5, $0x0;
	s5 =	sld [smem:$0x3FB2]  }
0x2b: {  	s6 =	sld [smem:$0x3FB3]  }
0x2c: {  	s7 =	sld [smem:$0x3FB4]  }
0x2d: {  	s3 =	simm.s32 $0x108;
	s8 =	sld [smem:$0x3FB5]  }
0x2e: {  	s3 =	simm.s32 @!p0 $0x1082;
	s9 =	sld [smem:$0x3FB6]  }
0x2f: {  	lr =	sadd.s32 s0, s3;
	s0 =	sld [smem:$0x3FAD]  }
0x30: {  	s3 =	sld [smem:$0x3FB0]  }
0x31: {  	[smem:$0x3FB9] =	sst s10  }
0x32: {  	s10 =	sld [smem:$0x3FB7];
	_ =	sdelay $0x3  }
0x33: {  	p0 =	seq.s32 s10, $0x1;
	s10 =	sld [smem:$0x3FB9];
	_ =	sdelay $0x3  }
0x34: {  	[smem:$0x3FB9] =	sst s10  }
0x35: {  	s10 =	sld [smem:$0x3FB8];
	_ =	sdelay $0x3  }
0x36: {  	p1 =	seq.s32 s10, $0x1;
	s10 =	sld [smem:$0x3FB9];
	_ =	sdelay $0x3  }
0x37: {  	[smem:$0x3FB9] =	sst s10  }
0x38: {  	s10 =	sld [smem:$0x3FBA]  }
0x39: {  	_ = 	snop;
	(pc) =	sbr.ind lr, $3  }
0x3a: {  	_ = 	snop  }
0x3b: {  	_ = 	snop  }
0x3c: {  	p2 =	seq.s32 s10, $0x1;
	s10 =	sld [smem:$0x3FB9]  }
0x3d: {  	_ =	shalt  }
0x3e: {  	_ =	shalt  }
0x3f: {  	_ =	shalt  }
0x40: {  	_ =	shalt  }
0x41: {  	_ =	shalt  }
0x42: {  	_ =	shalt  }
0x43: {  	_ =	shalt  }
0x44: {  	_ =	shalt  }
0x45: {  	_ =	shalt  }
0x46: {  	_ =	shalt  }
0x47: {  	_ =	shalt  }
0x48: {  	_ =	shalt  }
0x49: {  	_ =	shalt  }
0x4a: {  	_ =	shalt  }
0x4b: {  	_ =	shalt  }
0x4c: {  	_ =	shalt  }
0x4d: {  	_ =	shalt  }
0x4e: {  	_ =	shalt  }
0x4f: {  	_ =	shalt  }
0x50: {  	_ =	shalt  }
0x51: {  	_ =	shalt  }
0x52: {  	_ =	shalt  }
0x53: {  	_ =	shalt  }
0x54: {  	_ =	shalt  }
0x55: {  	_ =	shalt  }
0x56: {  	_ =	shalt  }
0x57: {  	_ =	shalt  }
0x58: {  	_ =	shalt  }
0x59: {  	_ =	shalt  }
0x5a: {  	_ =	shalt  }
0x5b: {  	_ =	shalt  }
0x5c: {  	_ =	shalt  }
0x5d: {  	_ =	shalt  }
0x5e: {  	_ =	shalt  }
0x5f: {  	_ =	shalt  }
0x60: {  	_ =	shalt  }
0x61: {  	_ =	shalt  }
0x62: {  	_ =	shalt  }
0x63: {  	_ =	shalt  }
0x64: {  	_ =	shalt  }
0x65: {  	_ =	shalt  }
0x66: {  	_ =	shalt  }
0x67: {  	_ =	shalt  }
0x68: {  	_ =	shalt  }
0x69: {  	_ =	shalt  }
0x6a: {  	_ =	shalt  }
0x6b: {  	_ =	shalt  }
0x6c: {  	_ =	shalt  }
0x6d: {  	_ =	shalt  }
0x6e: {  	_ =	shalt  }
0x6f: {  	_ =	shalt  }
0x70: {  	_ =	shalt  }
0x71: {  	_ =	shalt  }
0x72: {  	_ =	shalt  }
0x73: {  	_ =	shalt  }
0x74: {  	_ =	shalt  }
0x75: {  	_ =	shalt  }
0x76: {  	_ =	shalt  }
0x77: {  	_ =	shalt  }
0x78: {  	_ =	shalt  }
0x79: {  	_ =	shalt  }
0x7a: {  	_ =	shalt  }
0x7b: {  	_ =	shalt  }
0x7c: {  	_ =	shalt  }
0x7d: {  	_ =	shalt  }
0x7e: {  	_ =	shalt  }
0x7f: {  	_ =	shalt  }
0x80: {  	_ =	shalt  }
0x81: {  	_ =	shalt  }
0x82: {  	_ =	shalt  }
0x83: {  	_ =	shalt  }
0x84: {  	_ =	shalt  }
0x85: {  	_ =	shalt  }
0x86: {  	_ =	shalt  }
0x87: {  	_ =	shalt  }
.Lfunc_end0:
.L_simem_size_0:
called_computation_lowered:
.L_overlay_start_0:
0x88: {  	s2 =	sld [smem:$0x3FD9]  }
0x89: {  	s3 =	sld [smem:$0x3FFE];
	_ =	sdelay $0x1  }
0x8a: {  	s1 =	srdreg.scid  }
0x8b: {  	s0 =	sand.u32 $0x1, s1  }
0x8c: {  	s14 =	sshll.u32 s0, $0xA;
	s2 =	sadd.s32 s3, s2  }
0x8d: {  	s2 =	sadd.s32 s2, s14  }
0x8e: {  	[smem:$0x3FC5] =	sst s2  }
0x8f: {  	_ = 	snop  }
0x90: {  	s2 =	sld [smem:$0x3FD0];
	_ =	sdelay $0x1  }
0x91: {  	s15 =	sld [smem:$0x3FC8]  }
0x92: {  	s5 =	simm.s32 $0xA;
	s6 =	simm.s32 $0x10;
	s4 =	sld [smem:$0x3FC7]  }
0x93: {  	[smem:s6], [sflag:s5] =	dma.local [hbm:s2], $0x1  }
0x94: {  	_ =	swait.eq [sflag:s5], $0x1  }
0x95: {  	[sflag:s5] =	ssyncset.done $0x0  }
0x96: {  	s16 =	sld [smem:$0x10];
	[sflag:s5] =	ssyncadd.s32 $0xFFFFFFFF  }
0x97: {  	s17 =	sld [smem:$0x11];
	(tm) =	ssettm $0x1  }
0x98: {  	s18 =	sld [smem:$0x3FFB];
	_ =	sdelay $0x3  }
0x99: {  	_ =	strace s18  }
0x9a: {  	s6 =	sld [smem:$0x3FFC];
	_ =	sdelay $0x3  }
0x9b: {  	_ =	strace s6  }
0x9c: {  	s6 =	sld [smem:$0x3FFD];
	_ =	sdelay $0x3  }
0x9d: {  	_ =	strace s6  }
0x9e: {  	_ =	strace $0x8FFFFFFF  }
0x9f: {  	s19 =	sld [smem:$0x3FDB];
	_ =	sdelay $0x1  }
0xa0: {  	s7 =	simm.s32 $_scs_section_size  }
0xa1: {  	s8 =	simm.s32 $_size__tile_overlayer_lowered;
	s9 =	simm.s32 $_tile_overlayer_lowered  }
0xa2: {  	s22 =	simm.s32 $0x1BFF;
	s21 =	sshll.u32 s9, $0x1;
	s6 =	sadd.s32 s7, s19  }
0xa3: {  	s10 =	simm.s32 $0x0;
	s20 =	sshll.u32 s8, $0x1;
	s8 =	sadd.s32 s21, s6  }
0xa4: {  	[timem:s10], [sflag:s22] =	dma.local [hbm:s8], s20  }
0xa5: {  	_ =	swait.ge [sflag:s22], s20  }
0xa6: {  	s7 =	ssub.s32 $0x0, s20;
	[sflag:s22] =	ssyncset.done $0x0  }
0xa7: {  	[sflag:s22] =	ssyncadd.s32 s7;
	_ =	sdelay $0x1  }
0xa8: {  	s23 =	simm.s32 $0x1B8B  }
0xa9: {  	_ =	swait.ge [sflag:s23], $0x1  }
0xaa: {  	[sflag:s23] =	ssyncset.done $0x0  }
0xab: {  	s25 =	simm.s32 $0x1B8E;
	s24 =	sld [smem:$0x3FFE];
	[sflag:s23] =	ssyncadd.s32 $0xFFFFFFFF  }
0xac: {  	s26 =	simm.s32 $execute0_lowered;
	[smem:$0x3FD2] =	sst s25  }
0xad: {  	s8 =	sshll.u32 s26, $0x1;
	_ =	strace $0x80000046;
	[dreg:$0x1] =	wrdreg $0xFFFFFFFF  }
0xae: {  	s28 =	simm.s32 $_size_execute0_lowered;
	s6 =	sadd.s32 s6, s8;
	[dreg:$0x0] =	wrdreg $0x0  }
0xaf: {  	s8 =	sshll.u32 s28, $0x1;
	[dreg:$0x2] =	wrdreg s6  }
0xb0: {  	[dreg:$0x3] =	wrdreg s8  }
0xb1: {  	[dreg:$0x4] =	wrdreg $0xC0  }
0xb2: {  	_ =	task [dreg:s10], $0x5FFFF  }
0xb3: {  	[dreg:$0x1] =	wrdreg $0xFFFFFFFF  }
0xb4: {  	[dreg:$0x0] =	wrdreg $0x60  }
0xb5: {  	[dreg:$0x2] =	wrdreg s24  }
0xb6: {  	[dreg:$0x3] =	wrdreg s15  }
0xb7: {  	[dreg:$0x4] =	wrdreg s4  }
0xb8: {  	[dreg:$0x5] =	wrdreg s16  }
0xb9: {  	[dreg:$0x6] =	wrdreg s17  }
0xba: {  	[dreg:$0x7] =	wrdreg $0x9  }
0xbb: {  	_ =	task.clear_ibuf [dreg:s10], $0x8FFFF;
	_ =	strace $0x90000046  }
0xbc: {  	s29 =	simm.s32 $0x9;
	_ =	strace $0x80000048  }
0xbd: {  	_ =	swait.ge [sflag:s29], $0x1  }
0xbe: {  	[sflag:s29] =	ssyncadd.s32 $0xFFFFFFFF  }
0xbf: {  	_ =	strace $0x90000048  }
0xc0: {  	_ =	sfence  }
0xc1: {  	s30 =	sld [smem:$0x0];
	_ =	sdelay $0x2  }
0xc2: {  	s31 =	sshll.u32 s1, $0xD;
	s1 =	sshrl.u32 s1, $0x2  }
0xc3: {  	s3 =	sand.u32 $0x4000, s31;
	s1 =	sadd.s32 s1, s30  }
0xc4: {  	s0 =	sor.u32 s3, s0;
	s1 =	sshll.u32 s1, $0x11  }
0xc5: {  	s0 =	sor.u32 s1, s0  }
0xc6: {  	s0 =	sadd.s32 $0x8F2B, s0  }
0xc7: {  	[sflag:s0] =	ssyncadd.remote.s32 $0x1  }
0xc8: {  	_ =	sfence.sel $0xFFFF  }
0xc9: {  	[dreg:$0x0] =	wrdreg $0xFFFFFFFF;
	(pc) =	sbr.abs _section_cstart, $3  }
0xca: {  	[dreg:$0x1] =	wrdreg $0xFFFFFFFF  }
0xcb: {  	_ =	task.clear_ibuf [dreg:s10], $0x2FFFF;
	_ =	strace $0x9FFFFFFF  }
0xcc: {  	(tm) =	ssettm $0x7FFFFFFF  }
0xcd: {  	_ =	shalt  }
tec
execute0_lowered:
.L_overlay_start_1:
0x0: {  	(tag) =	ssettag $0x1  }
0x1: {  	s0 =	rddreg [dreg:$0x0];
	s1 =	srdreg.scid  }
0x2: {  	s6 =	simm.s32 $0x0;
	s3 =	stileid.u32;
	s11 =	simm.s32 $0x3  }
0x3: {  	s12 =	simm.s32 $0xA00;
	s13 =	simm.s32 $0x80;
	s14 =	simm.s32 $0x1400  }
0x4: {  	s15 =	simm.s32 $0xB400;
	s4 =	simm.s32 $0x1280;
	s16 =	simm.s32 $0x13C00  }
0x5: {  	s17 =	simm.s32 $0x900;
	s18 =	simm.s32 $0xA400;
	s19 =	simm.s32 $0x1300  }
0x6: {  	s20 =	simm.s32 $0x14400;
	s21 =	simm.s32 $0x980;
	s22 =	simm.s32 $0xAC00  }
0x7: {  	s23 =	simm.s32 $0x1380;
	s24 =	simm.s32 $0x14C00;
	s25 =	simm.s32 $0x1  }
0x8: {  	s28 =	simm.s32 $0x15E00;
	s29 =	simm.s32 $0x16800;
	s5 =	sand.u32 $0x1, s1  }
.Ltmp0:
0x9: {  	s30 =	simm.s32 $0x17200;
	s1 =	ssub.s32 $0x2, s5;
	(pc) =	sbr.rel .LBB2_1-.Ltmp0, $4  }
0xa: {  	s31 =	simm.s32 $0x2;
	[smem:$0x7FF] =	sst s6;
	s2 =	sshrl.u32 s1, $0x1  }
0xb: {  	v0 =	vlaneseq.u32;
	s8 =	sadd.s32 $0x187200, s0;
	s9 =	sshll.u32 s3, $0x1;
	s1 =	ssub.s32 s1, s2  }
0xc: {  	s3 =	simm.s32 $0x9C00;
	v1 =	vand.u32 $0x7, v0;
	_ =	strace $0x80000047;
	s26 =	smax.u32 s1, $0x1  }
0xd: {  	v2 =	vor.u32 $0x78, v1;
	v3 =	vor.u32 $0x1400, v1;
	s1 =	simm.s32 $0x0;
	[dreg:$0x6] =	wrdreg s26;
	s26 =	simm.s32 $0x15400  }
.LBB2_7:
0xe: {  	s1 =	rddreg [dreg:$0x7]  }
0xf: {  	s0 =	rddreg [dreg:$0x6];
	s1 =	sadd.s32 $0x1, s1  }
0x10: {  	p0 =	sne.s32 s1, s0  }
.Ltmp1:
0x11: {  	_ = 	snop;
	(pc) =	sbr.rel @!p0 .LBB2_8-.Ltmp1, $1  }
0x12: {  	_ =	sdelay $0x3  }
.LBB2_1:
.Ltmp2:
0x13: {  	(pc) =	sbr.rel .LBB2_2-.Ltmp2, $2  }
0x14: {  	_ =	sdelay $0x2  }
0x15: {  	[dreg:$0x7] =	wrdreg s1;
	s0 =	simm.s32 $0x0  }
.LBB2_6:
0x16: {  	s0 =	sadd.s32 $0x1, s0  }
0x17: {  	p0 =	sne.s32 s0, $0x28  }
.Ltmp3:
0x18: {  	_ = 	snop;
	(pc) =	sbr.rel @!p0 .LBB2_7-.Ltmp3, $1  }
0x19: {  	_ =	sdelay $0x3  }
.LBB2_2:
0x1a: {  	s1 =	sshll.u32 s0, $0x5  }
0x1b: {  	s1 =	sor.u32 s9, s1  }
0x1c: {  	p0 =	sgt.u32 s1, $0x4E1  }
.Ltmp4:
0x1d: {  	_ = 	snop;
	(pc) =	sbr.rel @p0 .LBB2_6-.Ltmp4, $1  }
0x1e: {  	_ =	sdelay $0x3  }
0x1f: {  	s1 =	sor.u32 s5, s1  }
0x20: {  	s1 =	smul.u32 $0xA00, s1;
	_ =	sdelay $0x1  }
0x21: {  	s10 =	rddreg [dreg:$0x1];
	s7 =	sshrl.u32 s1, $0x3  }
0x22: {  	s1 =	sadd.s32 s10, s7;
	s10 =	simm.s32 $0x0  }
0x23: {  	[tilespmem:s10], [sflag:$0x3] =	stream.linear.gather [hbm4b:s1+s10], $0xA00, $0x38;
	[tilespmem:$0x17C00] =	vst v63  }
0x24: {  	_ =	swait.ge [sflag:s11], $0xA00  }
0x25: {  	[sflag:s11] =	ssyncset.done $0x0  }
0x26: {  	[sflag:s11] =	ssyncadd.s32 $0xFFFFF600  }
0x27: {  	s2 =	rddreg [dreg:$0x2]  }
0x28: {  	s1 =	sadd.s32 s2, s7  }
0x29: {  	[tilespmem:s12], [sflag:$0x3] =	stream.linear.gather [hbm4b:s1+s10], $0xA00, $0x38;
	[tilespmem:$0x17C00] =	vst v63  }
0x2a: {  	_ =	swait.ge [sflag:s11], $0xA00  }
0x2b: {  	[sflag:s11] =	ssyncset.done $0x0  }
0x2c: {  	[sflag:s11] =	ssyncadd.s32 $0xFFFFF600  }
0x2d: {  	[tilespmem:s14], [sflag:$0x1] =	stream.indirect.gather [hbm4b:s8+s13], $0x10, s10, s13, $0xb8;
	[tilespmem:$0x17C00] =	vst v63  }
0x2e: {  	_ = 	snop  }
0x2f: {  	[tilespmem:s15], [sflag:$0x1] =	stream.indirect.gather [hbm4b:s8+s13], $0x10, s12, s13, $0xb8;
	[tilespmem:$0x17C00] =	vst v63  }
0x30: {  	s2 =	simm.s32 $0x1C00  }
0x31: {  	[tilespmem:s2], [sflag:$0x1] =	stream.indirect.gather [hbm4b:s8+s13], $0x10, s13, s13, $0xb8;
	[tilespmem:$0x17C00] =	vst v63  }
0x32: {  	s1 =	simm.s32 $0xA80;
	s2 =	simm.s32 $0xBC00  }
0x33: {  	[tilespmem:s2], [sflag:$0x1] =	stream.indirect.gather [hbm4b:s8+s13], $0x10, s1, s13, $0xb8;
	[tilespmem:$0x17C00] =	vst v63  }
0x34: {  	s1 =	simm.s32 $0x100;
	s2 =	simm.s32 $0x2400  }
0x35: {  	[tilespmem:s2], [sflag:$0x1] =	stream.indirect.gather [hbm4b:s8+s13], $0x10, s1, s13, $0xb8;
	[tilespmem:$0x17C00] =	vst v63  }
0x36: {  	s1 =	simm.s32 $0xB00;
	s2 =	simm.s32 $0xC400  }
0x37: {  	[tilespmem:s2], [sflag:$0x1] =	stream.indirect.gather [hbm4b:s8+s13], $0x10, s1, s13, $0xb8;
	[tilespmem:$0x17C00] =	vst v63  }
0x38: {  	s1 =	simm.s32 $0x180;
	s2 =	simm.s32 $0x2C00  }
0x39: {  	[tilespmem:s2], [sflag:$0x1] =	stream.indirect.gather [hbm4b:s8+s13], $0x10, s1, s13, $0xb8;
	[tilespmem:$0x17C00] =	vst v63  }
0x3a: {  	s1 =	simm.s32 $0xB80;
	s2 =	simm.s32 $0xCC00  }
0x3b: {  	[tilespmem:s2], [sflag:$0x1] =	stream.indirect.gather [hbm4b:s8+s13], $0x10, s1, s13, $0xb8;
	[tilespmem:$0x17C00] =	vst v63  }
0x3c: {  	s1 =	simm.s32 $0x200;
	s2 =	simm.s32 $0x3400  }
0x3d: {  	[tilespmem:s2], [sflag:$0x1] =	stream.indirect.gather [hbm4b:s8+s13], $0x10, s1, s13, $0xb8;
	[tilespmem:$0x17C00] =	vst v63  }
0x3e: {  	s1 =	simm.s32 $0xC00;
	s2 =	simm.s32 $0xD400  }
0x3f: {  	[tilespmem:s2], [sflag:$0x1] =	stream.indirect.gather [hbm4b:s8+s13], $0x10, s1, s13, $0xb8;
	[tilespmem:$0x17C00] =	vst v63  }
0x40: {  	s1 =	simm.s32 $0x280;
	s2 =	simm.s32 $0x3C00  }
0x41: {  	[tilespmem:s2], [sflag:$0x1] =	stream.indirect.gather [hbm4b:s8+s13], $0x10, s1, s13, $0xb8;
	[tilespmem:$0x17C00] =	vst v63  }
0x42: {  	s1 =	simm.s32 $0xC80;
	s2 =	simm.s32 $0xDC00  }
0x43: {  	[tilespmem:s2], [sflag:$0x1] =	stream.indirect.gather [hbm4b:s8+s13], $0x10, s1, s13, $0xb8;
	[tilespmem:$0x17C00] =	vst v63  }
0x44: {  	s1 =	simm.s32 $0x300;
	s2 =	simm.s32 $0x4400  }
0x45: {  	[tilespmem:s2], [sflag:$0x1] =	stream.indirect.gather [hbm4b:s8+s13], $0x10, s1, s13, $0xb8;
	[tilespmem:$0x17C00] =	vst v63  }
0x46: {  	s1 =	simm.s32 $0xD00;
	s2 =	simm.s32 $0xE400  }
0x47: {  	[tilespmem:s2], [sflag:$0x1] =	stream.indirect.gather [hbm4b:s8+s13], $0x10, s1, s13, $0xb8;
	[tilespmem:$0x17C00] =	vst v63  }
0x48: {  	s1 =	simm.s32 $0x380;
	s2 =	simm.s32 $0x4C00  }
0x49: {  	[tilespmem:s2], [sflag:$0x1] =	stream.indirect.gather [hbm4b:s8+s13], $0x10, s1, s13, $0xb8;
	[tilespmem:$0x17C00] =	vst v63  }
0x4a: {  	s1 =	simm.s32 $0xD80;
	s2 =	simm.s32 $0xEC00  }
0x4b: {  	[tilespmem:s2], [sflag:$0x1] =	stream.indirect.gather [hbm4b:s8+s13], $0x10, s1, s13, $0xb8;
	[tilespmem:$0x17C00] =	vst v63  }
0x4c: {  	s1 =	simm.s32 $0x400;
	s2 =	simm.s32 $0x5400  }
0x4d: {  	[tilespmem:s2], [sflag:$0x1] =	stream.indirect.gather [hbm4b:s8+s13], $0x10, s1, s13, $0xb8;
	[tilespmem:$0x17C00] =	vst v63  }
0x4e: {  	s1 =	simm.s32 $0xE00;
	s2 =	simm.s32 $0xF400  }
0x4f: {  	[tilespmem:s2], [sflag:$0x1] =	stream.indirect.gather [hbm4b:s8+s13], $0x10, s1, s13, $0xb8;
	[tilespmem:$0x17C00] =	vst v63  }
0x50: {  	s1 =	simm.s32 $0x480;
	s2 =	simm.s32 $0x5C00  }
0x51: {  	[tilespmem:s2], [sflag:$0x1] =	stream.indirect.gather [hbm4b:s8+s13], $0x10, s1, s13, $0xb8;
	[tilespmem:$0x17C00] =	vst v63  }
0x52: {  	s1 =	simm.s32 $0xE80;
	s2 =	simm.s32 $0xFC00  }
0x53: {  	[tilespmem:s2], [sflag:$0x1] =	stream.indirect.gather [hbm4b:s8+s13], $0x10, s1, s13, $0xb8;
	[tilespmem:$0x17C00] =	vst v63  }
0x54: {  	s1 =	simm.s32 $0x500;
	s2 =	simm.s32 $0x6400  }
0x55: {  	[tilespmem:s2], [sflag:$0x1] =	stream.indirect.gather [hbm4b:s8+s13], $0x10, s1, s13, $0xb8;
	[tilespmem:$0x17C00] =	vst v63  }
0x56: {  	s1 =	simm.s32 $0xF00;
	s2 =	simm.s32 $0x10400  }
0x57: {  	[tilespmem:s2], [sflag:$0x1] =	stream.indirect.gather [hbm4b:s8+s13], $0x10, s1, s13, $0xb8;
	[tilespmem:$0x17C00] =	vst v63  }
0x58: {  	s1 =	simm.s32 $0x580;
	s2 =	simm.s32 $0x6C00  }
0x59: {  	[tilespmem:s2], [sflag:$0x1] =	stream.indirect.gather [hbm4b:s8+s13], $0x10, s1, s13, $0xb8;
	[tilespmem:$0x17C00] =	vst v63  }
0x5a: {  	s1 =	simm.s32 $0xF80;
	s2 =	simm.s32 $0x10C00  }
0x5b: {  	[tilespmem:s2], [sflag:$0x1] =	stream.indirect.gather [hbm4b:s8+s13], $0x10, s1, s13, $0xb8;
	[tilespmem:$0x17C00] =	vst v63  }
0x5c: {  	s1 =	simm.s32 $0x600;
	s2 =	simm.s32 $0x7400  }
0x5d: {  	[tilespmem:s2], [sflag:$0x1] =	stream.indirect.gather [hbm4b:s8+s13], $0x10, s1, s13, $0xb8;
	[tilespmem:$0x17C00] =	vst v63  }
0x5e: {  	s1 =	simm.s32 $0x1000;
	s2 =	simm.s32 $0x11400  }
0x5f: {  	[tilespmem:s2], [sflag:$0x1] =	stream.indirect.gather [hbm4b:s8+s13], $0x10, s1, s13, $0xb8;
	[tilespmem:$0x17C00] =	vst v63  }
0x60: {  	s1 =	simm.s32 $0x680;
	s2 =	simm.s32 $0x7C00  }
0x61: {  	[tilespmem:s2], [sflag:$0x1] =	stream.indirect.gather [hbm4b:s8+s13], $0x10, s1, s13, $0xb8;
	[tilespmem:$0x17C00] =	vst v63  }
0x62: {  	s1 =	simm.s32 $0x1080;
	s2 =	simm.s32 $0x11C00  }
0x63: {  	[tilespmem:s2], [sflag:$0x1] =	stream.indirect.gather [hbm4b:s8+s13], $0x10, s1, s13, $0xb8;
	[tilespmem:$0x17C00] =	vst v63  }
0x64: {  	s1 =	simm.s32 $0x700;
	s2 =	simm.s32 $0x8400  }
0x65: {  	[tilespmem:s2], [sflag:$0x1] =	stream.indirect.gather [hbm4b:s8+s13], $0x10, s1, s13, $0xb8;
	[tilespmem:$0x17C00] =	vst v63  }
0x66: {  	s1 =	simm.s32 $0x1100;
	s2 =	simm.s32 $0x12400  }
0x67: {  	[tilespmem:s2], [sflag:$0x1] =	stream.indirect.gather [hbm4b:s8+s13], $0x10, s1, s13, $0xb8;
	[tilespmem:$0x17C00] =	vst v63  }
0x68: {  	s1 =	simm.s32 $0x780;
	s2 =	simm.s32 $0x8C00  }
0x69: {  	[tilespmem:s2], [sflag:$0x1] =	stream.indirect.gather [hbm4b:s8+s13], $0x10, s1, s13, $0xb8;
	[tilespmem:$0x17C00] =	vst v63  }
0x6a: {  	s1 =	simm.s32 $0x1180;
	s2 =	simm.s32 $0x12C00  }
0x6b: {  	[tilespmem:s2], [sflag:$0x1] =	stream.indirect.gather [hbm4b:s8+s13], $0x10, s1, s13, $0xb8;
	[tilespmem:$0x17C00] =	vst v63  }
0x6c: {  	s1 =	simm.s32 $0x800;
	s2 =	simm.s32 $0x9400  }
0x6d: {  	[tilespmem:s2], [sflag:$0x1] =	stream.indirect.gather [hbm4b:s8+s13], $0x10, s1, s13, $0xb8;
	[tilespmem:$0x17C00] =	vst v63  }
0x6e: {  	s1 =	simm.s32 $0x1200;
	s2 =	simm.s32 $0x13400  }
0x6f: {  	[tilespmem:s2], [sflag:$0x1] =	stream.indirect.gather [hbm4b:s8+s13], $0x10, s1, s13, $0xb8;
	[tilespmem:$0x17C00] =	vst v63  }
0x70: {  	s2 =	simm.s32 $0x880  }
0x71: {  	[tilespmem:s3], [sflag:$0x1] =	stream.indirect.gather [hbm4b:s8+s13], $0x10, s2, s13, $0xb8;
	[tilespmem:$0x17C00] =	vst v63  }
0x72: {  	_ = 	snop  }
0x73: {  	[tilespmem:s16], [sflag:$0x1] =	stream.indirect.gather [hbm4b:s8+s13], $0x10, s4, s13, $0xb8;
	[tilespmem:$0x17C00] =	vst v63  }
0x74: {  	_ = 	snop  }
0x75: {  	[tilespmem:s18], [sflag:$0x1] =	stream.indirect.gather [hbm4b:s8+s13], $0x10, s17, s13, $0xb8;
	[tilespmem:$0x17C00] =	vst v63  }
0x76: {  	_ = 	snop  }
0x77: {  	[tilespmem:s20], [sflag:$0x1] =	stream.indirect.gather [hbm4b:s8+s13], $0x10, s19, s13, $0xb8;
	[tilespmem:$0x17C00] =	vst v63  }
0x78: {  	_ = 	snop  }
0x79: {  	[tilespmem:s22], [sflag:$0x1] =	stream.indirect.gather [hbm4b:s8+s13], $0x10, s21, s13, $0xb8;
	[tilespmem:$0x17C00] =	vst v63  }
0x7a: {  	_ = 	snop  }
0x7b: {  	[tilespmem:s24], [sflag:$0x1] =	stream.indirect.gather [hbm4b:s8+s13], $0x10, s23, s13, $0xb8;
	[tilespmem:$0x17C00] =	vst v63  }
0x7c: {  	_ =	swait.ge [sflag:s25], $0x800  }
0x7d: {  	[sflag:s25] =	ssyncset.done $0x0  }
0x7e: {  	[sflag:s25] =	ssyncadd.s32 $0xFFFFF800  }
0x7f: {  	_ =	swait.ge [sflag:s25], $0x800  }
0x80: {  	[sflag:s25] =	ssyncset.done $0x0  }
0x81: {  	[sflag:s25] =	ssyncadd.s32 $0xFFFFF800  }
0x82: {  	_ =	swait.ge [sflag:s25], $0x800  }
0x83: {  	[sflag:s25] =	ssyncset.done $0x0  }
0x84: {  	[sflag:s25] =	ssyncadd.s32 $0xFFFFF800  }
0x85: {  	_ =	swait.ge [sflag:s25], $0x800  }
0x86: {  	[sflag:s25] =	ssyncset.done $0x0  }
0x87: {  	[sflag:s25] =	ssyncadd.s32 $0xFFFFF800  }
0x88: {  	_ =	swait.ge [sflag:s25], $0x800  }
0x89: {  	[sflag:s25] =	ssyncset.done $0x0  }
0x8a: {  	[sflag:s25] =	ssyncadd.s32 $0xFFFFF800  }
0x8b: {  	_ =	swait.ge [sflag:s25], $0x800  }
0x8c: {  	[sflag:s25] =	ssyncset.done $0x0  }
0x8d: {  	[sflag:s25] =	ssyncadd.s32 $0xFFFFF800  }
0x8e: {  	_ =	swait.ge [sflag:s25], $0x800  }
0x8f: {  	[sflag:s25] =	ssyncset.done $0x0  }
0x90: {  	[sflag:s25] =	ssyncadd.s32 $0xFFFFF800  }
0x91: {  	_ =	swait.ge [sflag:s25], $0x800  }
0x92: {  	[sflag:s25] =	ssyncset.done $0x0  }
0x93: {  	[sflag:s25] =	ssyncadd.s32 $0xFFFFF800  }
0x94: {  	_ =	swait.ge [sflag:s25], $0x800  }
0x95: {  	[sflag:s25] =	ssyncset.done $0x0  }
0x96: {  	[sflag:s25] =	ssyncadd.s32 $0xFFFFF800  }
0x97: {  	_ =	swait.ge [sflag:s25], $0x800  }
0x98: {  	[sflag:s25] =	ssyncset.done $0x0  }
0x99: {  	[sflag:s25] =	ssyncadd.s32 $0xFFFFF800  }
0x9a: {  	_ =	swait.ge [sflag:s25], $0x800  }
0x9b: {  	[sflag:s25] =	ssyncset.done $0x0  }
0x9c: {  	[sflag:s25] =	ssyncadd.s32 $0xFFFFF800  }
0x9d: {  	_ =	swait.ge [sflag:s25], $0x800  }
0x9e: {  	[sflag:s25] =	ssyncset.done $0x0  }
0x9f: {  	[sflag:s25] =	ssyncadd.s32 $0xFFFFF800  }
0xa0: {  	_ =	swait.ge [sflag:s25], $0x800  }
0xa1: {  	[sflag:s25] =	ssyncset.done $0x0  }
0xa2: {  	[sflag:s25] =	ssyncadd.s32 $0xFFFFF800  }
0xa3: {  	_ =	swait.ge [sflag:s25], $0x800  }
0xa4: {  	[sflag:s25] =	ssyncset.done $0x0  }
0xa5: {  	[sflag:s25] =	ssyncadd.s32 $0xFFFFF800  }
0xa6: {  	_ =	swait.ge [sflag:s25], $0x800  }
0xa7: {  	[sflag:s25] =	ssyncset.done $0x0  }
0xa8: {  	[sflag:s25] =	ssyncadd.s32 $0xFFFFF800  }
0xa9: {  	_ =	swait.ge [sflag:s25], $0x800  }
0xaa: {  	[sflag:s25] =	ssyncset.done $0x0  }
0xab: {  	[sflag:s25] =	ssyncadd.s32 $0xFFFFF800  }
0xac: {  	_ =	swait.ge [sflag:s25], $0x800  }
0xad: {  	[sflag:s25] =	ssyncset.done $0x0  }
0xae: {  	[sflag:s25] =	ssyncadd.s32 $0xFFFFF800  }
0xaf: {  	_ =	swait.ge [sflag:s25], $0x800  }
0xb0: {  	[sflag:s25] =	ssyncset.done $0x0  }
0xb1: {  	[sflag:s25] =	ssyncadd.s32 $0xFFFFF800  }
0xb2: {  	_ =	swait.ge [sflag:s25], $0x800  }
0xb3: {  	[sflag:s25] =	ssyncset.done $0x0  }
0xb4: {  	[sflag:s25] =	ssyncadd.s32 $0xFFFFF800  }
0xb5: {  	_ =	swait.ge [sflag:s25], $0x800  }
0xb6: {  	[sflag:s25] =	ssyncset.done $0x0  }
0xb7: {  	[sflag:s25] =	ssyncadd.s32 $0xFFFFF800  }
0xb8: {  	_ =	swait.ge [sflag:s25], $0x800  }
0xb9: {  	[sflag:s25] =	ssyncset.done $0x0  }
0xba: {  	[sflag:s25] =	ssyncadd.s32 $0xFFFFF800  }
0xbb: {  	_ =	swait.ge [sflag:s25], $0x800  }
0xbc: {  	[sflag:s25] =	ssyncset.done $0x0  }
0xbd: {  	[sflag:s25] =	ssyncadd.s32 $0xFFFFF800  }
0xbe: {  	_ =	swait.ge [sflag:s25], $0x800  }
0xbf: {  	[sflag:s25] =	ssyncset.done $0x0  }
0xc0: {  	[sflag:s25] =	ssyncadd.s32 $0xFFFFF800  }
0xc1: {  	_ =	swait.ge [sflag:s25], $0x800  }
0xc2: {  	[sflag:s25] =	ssyncset.done $0x0  }
0xc3: {  	[sflag:s25] =	ssyncadd.s32 $0xFFFFF800  }
0xc4: {  	_ =	swait.ge [sflag:s25], $0x800  }
0xc5: {  	[sflag:s25] =	ssyncset.done $0x0  }
0xc6: {  	[sflag:s25] =	ssyncadd.s32 $0xFFFFF800  }
0xc7: {  	_ =	swait.ge [sflag:s25], $0x800  }
0xc8: {  	[sflag:s25] =	ssyncset.done $0x0  }
0xc9: {  	[sflag:s25] =	ssyncadd.s32 $0xFFFFF800  }
0xca: {  	_ =	swait.ge [sflag:s25], $0x800  }
0xcb: {  	[sflag:s25] =	ssyncset.done $0x0  }
0xcc: {  	[sflag:s25] =	ssyncadd.s32 $0xFFFFF800  }
0xcd: {  	_ =	swait.ge [sflag:s25], $0x800  }
0xce: {  	[sflag:s25] =	ssyncset.done $0x0  }
0xcf: {  	[sflag:s25] =	ssyncadd.s32 $0xFFFFF800  }
0xd0: {  	_ =	swait.ge [sflag:s25], $0x800  }
0xd1: {  	[sflag:s25] =	ssyncset.done $0x0  }
0xd2: {  	[sflag:s25] =	ssyncadd.s32 $0xFFFFF800  }
0xd3: {  	_ =	swait.ge [sflag:s25], $0x800  }
0xd4: {  	[sflag:s25] =	ssyncset.done $0x0  }
0xd5: {  	[sflag:s25] =	ssyncadd.s32 $0xFFFFF800  }
0xd6: {  	_ =	swait.ge [sflag:s25], $0x800  }
0xd7: {  	[sflag:s25] =	ssyncset.done $0x0  }
0xd8: {  	[sflag:s25] =	ssyncadd.s32 $0xFFFFF800  }
0xd9: {  	_ =	swait.ge [sflag:s25], $0x800  }
0xda: {  	[sflag:s25] =	ssyncset.done $0x0  }
0xdb: {  	[sflag:s25] =	ssyncadd.s32 $0xFFFFF800  }
0xdc: {  	_ =	swait.ge [sflag:s25], $0x800  }
0xdd: {  	[sflag:s25] =	ssyncset.done $0x0  }
0xde: {  	[sflag:s25] =	ssyncadd.s32 $0xFFFFF800  }
0xdf: {  	_ =	swait.ge [sflag:s25], $0x800  }
0xe0: {  	[sflag:s25] =	ssyncset.done $0x0  }
0xe1: {  	[sflag:s25] =	ssyncadd.s32 $0xFFFFF800  }
0xe2: {  	_ =	swait.ge [sflag:s25], $0x800  }
0xe3: {  	[sflag:s25] =	ssyncset.done $0x0  }
0xe4: {  	[sflag:s25] =	ssyncadd.s32 $0xFFFFF800  }
0xe5: {  	_ =	swait.ge [sflag:s25], $0x800  }
0xe6: {  	[sflag:s25] =	ssyncset.done $0x0  }
0xe7: {  	[sflag:s25] =	ssyncadd.s32 $0xFFFFF800  }
0xe8: {  	_ =	swait.ge [sflag:s25], $0x800  }
0xe9: {  	[sflag:s25] =	ssyncset.done $0x0  }
0xea: {  	[sflag:s25] =	ssyncadd.s32 $0xFFFFF800  }
0xeb: {  	_ =	swait.ge [sflag:s25], $0x800  }
0xec: {  	[sflag:s25] =	ssyncset.done $0x0  }
0xed: {  	[sflag:s25] =	ssyncadd.s32 $0xFFFFF800  }
0xee: {  	v6 =	vor.u32 s10, v0;
	_ =	swait.ge [sflag:s25], $0x800  }
0xef: {  	v4 =	vshll.u32 v6, $0x4;
	[sflag:s25] =	ssyncset.done $0x0  }
0xf0: {  	[sflag:s25] =	ssyncadd.s32 $0xFFFFF800  }
0xf1: {  	v5 =	vor.u32 $0x1, v4;
	_ =	swait.ge [sflag:s25], $0x800  }
0xf2: {  	[sflag:s25] =	ssyncset.done $0x0  }
0xf3: {  	v7 =	vor.u32 $0x2, v4;
	[sflag:s25] =	ssyncadd.s32 $0xFFFFF800  }
0xf4: {  	v8 =	vld.idx.msk [tilespmem:v4+s14+$0x0], $0xffff  }
0xf5: {  	v4 =	vld.idx.msk [tilespmem:v4+s15+$0x0], $0xffff  }
0xf6: {  	v9 =	vld.idx.msk [tilespmem:v5+s14+$0x0], $0xffff  }
0xf7: {  	v5 =	vld.idx.msk [tilespmem:v5+s15+$0x0], $0xffff  }
0xf8: {  	v11 =	vld.idx.msk [tilespmem:v7+s15+$0x0], $0xffff  }
0xf9: {  	v7 =	vld.idx.msk [tilespmem:v7+s14+$0x0], $0xffff;
	_ =	sdelay $0x2  }
0xfa: {  	v8 =	vsub.f32 v4, v8;
	v10 =	vsub.f32 v5, v9  }
0xfb: {  	v4 =	vmov s10  }
0xfc: {  	v9 =	vsub.f32 v11, v7;
	v7 =	vmul.f32 v8, v8;
	v11 =	vmul.f32 v10, v10  }
0xfd: {  	s10 =	simm.s32 $0x10;
	v5 =	vand.u32 $0xF80, v4;
	v4 =	vand.u32 $0x78, v6  }
0xfe: {  	v15 =	vor.u32 s10, v0;
	v13 =	vmul.f32 v9, v9;
	v12 =	vadd.f32 v11, v7  }
0xff: {  	v4 =	vor.u32 v4, v5;
	v14 =	vshll.u32 v15, $0x4;
	v17 =	vand.u32 $0x78, v15  }
0x100: {  	v7 =	vand.u32 v2, v6;
	v11 =	vmov s10;
	v16 =	vadd.f32 v13, v12  }
0x101: {  	v6 =	vor.u32 v1, v4;
	v11 =	vand.u32 $0xF80, v11;
	v13 =	vand.u32 v2, v15  }
0x102: {  	s10 =	simm.s32 $0x20;
	v15 =	vor.u32 $0x1, v14;
	v12 =	vor.u32 $0x2, v14;
	v16 =	vmax.f32 v16, $1.000000020e-24  }
.LBB2_4:
0x103: {  	p0 =	sne.s32 s10, $0x9F0;
	v17 =	vor.u32 v17, v11;
	v18 =	vshrl.u32 v16, $0x1;
	v19 =	vmul.f32 $5.000000000e-01, v16;
	s1 =	smov.u32 s10;
	s10 =	sadd.s32 $0x10, s10  }
0x104: {  	v20 =	vor.u32 v1, v17;
	v18 =	vsub.s32 $0x5F3759DF, v18  }
0x105: {  	v21 =	vmul.f32 v18, v19;
	_ =	sdelay $0x1  }
0x106: {  	v21 =	vmul.f32 v18, v21;
	_ =	sdelay $0x1  }
0x107: {  	v21 =	vsub.f32 $1.500000000e+00, v21;
	_ =	sdelay $0x1  }
0x108: {  	v18 =	vmul.f32 v18, v21;
	_ =	sdelay $0x1  }
0x109: {  	v21 =	vmul.f32 v18, v19;
	_ =	sdelay $0x1  }
0x10a: {  	v21 =	vmul.f32 v21, v18;
	_ =	sdelay $0x1  }
0x10b: {  	v21 =	vsub.f32 $1.500000000e+00, v21;
	_ =	sdelay $0x1  }
0x10c: {  	v18 =	vmul.f32 v21, v18;
	_ =	sdelay $0x1  }
0x10d: {  	v19 =	vmul.f32 v18, v19;
	_ =	sdelay $0x1  }
0x10e: {  	v19 =	vmul.f32 v19, v18;
	_ =	sdelay $0x1  }
0x10f: {  	v19 =	vsub.f32 $1.500000000e+00, v19  }
0x110: {  	v21 =	vor.u32 v5, v7;
	v5 =	vmov v11;
	v7 =	vmov v13  }
0x111: {  	v11 =	vmul.f32 v19, v18  }
0x112: {  	v13 =	vadd.s32 $0xA00, v6;
	v6 =	vmov v20  }
0x113: {  	v18 =	vadd.s32 v3, v4;
	v4 =	vmovc v17;
	v16 =	vmul.f32 v11, v16;
	v10 =	vmul.f32 v11, v10  }
0x114: {  	v8 =	vmul.f32 v11, v8  }
0x115: {  	[tilespmem:v21+s26+$0x0] =	vst.idx.msk $0xffff, v16  }
0x116: {  	[tilespmem:v21+s28+$0x0] =	vst.idx.msk $0xffff, v8;
	v8 =	vmul.f32 v11, v9  }
0x117: {  	[tilespmem:v13+s28+$0x0] =	vst.idx.msk $0xffff, v10  }
0x118: {  	[tilespmem:v18+s28+$0x0] =	vst.idx.msk $0xffff, v8  }
0x119: {  	v8 =	vld.idx.msk [tilespmem:v14+s14+$0x0], $0xffff  }
0x11a: {  	v9 =	vld.idx.msk [tilespmem:v14+s15+$0x0], $0xffff  }
0x11b: {  	v10 =	vld.idx.msk [tilespmem:v15+s14+$0x0], $0xffff  }
0x11c: {  	v11 =	vld.idx.msk [tilespmem:v15+s15+$0x0], $0xffff  }
0x11d: {  	v13 =	vld.idx.msk [tilespmem:v12+s15+$0x0], $0xffff  }
0x11e: {  	v12 =	vld.idx.msk [tilespmem:v12+s14+$0x0], $0xffff;
	_ =	sdelay $0x1  }
0x11f: {  	v8 =	vsub.f32 v9, v8;
	_ =	sdelay $0x1  }
0x120: {  	v10 =	vsub.f32 v11, v10;
	_ =	sdelay $0x1  }
0x121: {  	v11 =	vmul.f32 v8, v8;
	v9 =	vsub.f32 v13, v12;
	v12 =	vmul.f32 v10, v10;
	_ =	sdelay $0x1  }
.Ltmp5:
0x122: {  	v12 =	vadd.f32 v12, v11;
	v13 =	vmul.f32 v9, v9;
	(pc) =	sbr.rel @p0 .LBB2_4-.Ltmp5, $4  }
0x123: {  	v11 =	vmov s1  }
0x124: {  	v15 =	vor.u32 s1, v0;
	v11 =	vand.u32 $0xF80, v11;
	v16 =	vadd.f32 v13, v12  }
0x125: {  	v14 =	vshll.u32 v15, $0x4;
	v17 =	vand.u32 $0x78, v15;
	v13 =	vand.u32 v2, v15  }
0x126: {  	v15 =	vor.u32 $0x1, v14;
	v12 =	vor.u32 $0x2, v14;
	v16 =	vmax.f32 v16, $1.000000020e-24  }
0x127: {  	v18 =	vshrl.u32 v16, $0x1;
	v19 =	vmul.f32 $5.000000000e-01, v16  }
0x128: {  	v18 =	vsub.s32 $0x5F3759DF, v18  }
0x129: {  	v20 =	vmul.f32 v18, v19;
	_ =	sdelay $0x1  }
0x12a: {  	v20 =	vmul.f32 v18, v20;
	_ =	sdelay $0x1  }
0x12b: {  	v20 =	vsub.f32 $1.500000000e+00, v20;
	_ =	sdelay $0x1  }
0x12c: {  	v18 =	vmul.f32 v18, v20;
	_ =	sdelay $0x1  }
0x12d: {  	v20 =	vmul.f32 v18, v19;
	_ =	sdelay $0x1  }
0x12e: {  	v20 =	vmul.f32 v20, v18;
	_ =	sdelay $0x1  }
0x12f: {  	v20 =	vsub.f32 $1.500000000e+00, v20;
	_ =	sdelay $0x1  }
0x130: {  	v18 =	vmul.f32 v20, v18;
	_ =	sdelay $0x1  }
0x131: {  	v19 =	vmul.f32 v18, v19;
	_ =	sdelay $0x1  }
0x132: {  	v19 =	vmul.f32 v19, v18;
	_ =	sdelay $0x1  }
0x133: {  	v19 =	vsub.f32 $1.500000000e+00, v19  }
0x134: {  	v5 =	vor.u32 v5, v7  }
0x135: {  	v49 =	vmul.f32 v19, v18  }
0x136: {  	v6 =	vadd.s32 $0xA00, v6  }
0x137: {  	v4 =	vadd.s32 v3, v4;
	v50 =	vmul.f32 v49, v16  }
0x138: {  	v8 =	vmul.f32 v49, v8  }
0x139: {  	v10 =	vmul.f32 v49, v10;
	[tilespmem:v5+s26+$0x0] =	vst.idx.msk $0xffff, v50  }
0x13a: {  	[tilespmem:v5+s28+$0x0] =	vst.idx.msk $0xffff, v8;
	v5 =	vmul.f32 v49, v9  }
0x13b: {  	[tilespmem:v6+s28+$0x0] =	vst.idx.msk $0xffff, v10  }
0x13c: {  	[tilespmem:v4+s28+$0x0] =	vst.idx.msk $0xffff, v5  }
0x13d: {  	v4 =	vld.idx.msk [tilespmem:v14+s14+$0x0], $0xffff  }
0x13e: {  	v5 =	vld.idx.msk [tilespmem:v14+s15+$0x0], $0xffff  }
0x13f: {  	v6 =	vld.idx.msk [tilespmem:v15+s14+$0x0], $0xffff  }
0x140: {  	v51 =	vld.idx.msk [tilespmem:v15+s15+$0x0], $0xffff  }
0x141: {  	v8 =	vld.idx.msk [tilespmem:v12+s15+$0x0], $0xffff  }
0x142: {  	v52 =	vld.idx.msk [tilespmem:v12+s14+$0x0], $0xffff;
	_ =	sdelay $0x2  }
0x143: {  	v4 =	vsub.f32 v5, v4;
	v5 =	vsub.f32 v51, v6;
	_ =	sdelay $0x1  }
0x144: {  	v53 =	vsub.f32 v8, v52;
	v54 =	vmul.f32 v4, v4;
	v55 =	vmul.f32 v5, v5;
	_ =	sdelay $0x1  }
0x145: {  	v56 =	vmul.f32 v53, v53;
	v7 =	vadd.f32 v55, v54;
	_ =	sdelay $0x1  }
0x146: {  	v7 =	vadd.f32 v56, v7;
	_ =	sdelay $0x1  }
0x147: {  	v7 =	vmax.f32 v7, $1.000000020e-24  }
0x148: {  	v57 =	vshrl.u32 v7, $0x1;
	v58 =	vmul.f32 $5.000000000e-01, v7  }
0x149: {  	v8 =	vsub.s32 $0x5F3759DF, v57  }
0x14a: {  	v59 =	vmul.f32 v8, v58;
	_ =	sdelay $0x1  }
0x14b: {  	v10 =	vmul.f32 v8, v59;
	_ =	sdelay $0x1  }
0x14c: {  	v10 =	vsub.f32 $1.500000000e+00, v10;
	_ =	sdelay $0x1  }
0x14d: {  	v8 =	vmul.f32 v8, v10;
	_ =	sdelay $0x1  }
0x14e: {  	v10 =	vmul.f32 v8, v58;
	_ =	sdelay $0x1  }
0x14f: {  	v10 =	vmul.f32 v10, v8;
	_ =	sdelay $0x1  }
0x150: {  	v10 =	vsub.f32 $1.500000000e+00, v10;
	_ =	sdelay $0x1  }
0x151: {  	v8 =	vmul.f32 v10, v8;
	_ =	sdelay $0x1  }
0x152: {  	v9 =	vmul.f32 v8, v58;
	_ =	sdelay $0x1  }
0x153: {  	v9 =	vmul.f32 v9, v8;
	_ =	sdelay $0x1  }
0x154: {  	v9 =	vsub.f32 $1.500000000e+00, v9  }
0x155: {  	v60 =	vor.u32 v17, v11;
	v61 =	vor.u32 v11, v13  }
0x156: {  	v62 =	vor.u32 v1, v60;
	v8 =	vmul.f32 v9, v8  }
0x157: {  	v63 =	vadd.s32 $0xA00, v62  }
0x158: {  	v10 =	vadd.s32 v3, v60;
	v7 =	vmul.f32 v8, v7  }
0x159: {  	v4 =	vmul.f32 v8, v4  }
0x15a: {  	v5 =	vmul.f32 v8, v5;
	[tilespmem:v61+s26+$0x0] =	vst.idx.msk $0xffff, v7  }
0x15b: {  	[tilespmem:v61+s28+$0x0] =	vst.idx.msk $0xffff, v4;
	v4 =	vmul.f32 v8, v53  }
0x15c: {  	s1 =	rddreg [dreg:$0x3];
	[tilespmem:v63+s28+$0x0] =	vst.idx.msk $0xffff, v5  }
0x15d: {  	s1 =	sadd.s32 s1, s7;
	[tilespmem:v10+s28+$0x0] =	vst.idx.msk $0xffff, v4  }
0x15e: {  	[hbm4b:s1+s6] =	stream.linear.scatter [tilespmem:s26], [sflag:$0x3], $0xA00, $0x38;
	[tilespmem:$0x17C00] =	vst v63  }
0x15f: {  	_ =	swait.ge [sflag:s11], $0xA00  }
0x160: {  	[sflag:s11] =	ssyncset.done $0x0  }
0x161: {  	[sflag:s11] =	ssyncadd.s32 $0xFFFFF600  }
0x162: {  	s10 =	rddreg [dreg:$0x4]  }
0x163: {  	s1 =	sadd.s32 s10, s7  }
0x164: {  	[hbm4b:s1+s6] =	stream.linear.scatter [tilespmem:s28], [sflag:$0x3], $0xA00, $0x38;
	[tilespmem:$0x17C00] =	vst v63  }
0x165: {  	_ =	swait.ge [sflag:s11], $0xA00  }
0x166: {  	[sflag:s11] =	ssyncset.done $0x0  }
0x167: {  	s7 =	sadd.s32 $0x61A80, s1;
	[sflag:s11] =	ssyncadd.s32 $0xFFFFF600  }
0x168: {  	[hbm4b:s7+s6] =	stream.linear.scatter [tilespmem:s29], [sflag:$0x3], $0xA00, $0x38;
	[tilespmem:$0x17C00] =	vst v63  }
0x169: {  	_ =	swait.ge [sflag:s11], $0xA00  }
0x16a: {  	[sflag:s11] =	ssyncset.done $0x0  }
.Ltmp6:
0x16b: {  	s1 =	sadd.s32 $0xC3500, s1;
	[sflag:s11] =	ssyncadd.s32 $0xFFFFF600;
	(pc) =	sbr.rel .LBB2_6-.Ltmp6, $4  }
0x16c: {  	[hbm4b:s1+s6] =	stream.linear.scatter [tilespmem:s30], [sflag:$0x2], $0xA00, $0x38;
	[tilespmem:$0x17C00] =	vst v63  }
0x16d: {  	_ =	swait.ge [sflag:s31], $0xA00  }
0x16e: {  	[sflag:s31] =	ssyncset.done $0x0  }
0x16f: {  	[sflag:s31] =	ssyncadd.s32 $0xFFFFF600  }
.LBB2_8:
0x170: {  	_ =	sfence.sel $0x180000  }
0x171: {  	[bflag:$0x0] =	sbarrier.arrive $0xFFFF  }
0x172: {  	_ =	strace $0x90000047  }
0x173: {  	s0 =	stileid.u32;
	[bflag:$0x2] =	sbarrier.arrive $0xFFFF  }
0x174: {  	p0 =	sne.s32 s0, $0x0;
	s0 =	rddreg [dreg:$0x5]  }
0x175: {  	s0 =	sadd.s32 @!p0 $0x100000, s0  }
0x176: {  	[sflag:s0] =	ssyncadd.tile.s32 @!p0 $0x1;
	_ =	shalt  }
.Lfunc_end2:
_tile_overlayer_lowered:
.L_overlay_start_2:
0x177: {  	(tag) =	ssettag $0x2  }
0x178: {  	s0 =	rddreg [dreg:$0x0];
	s2 =	stileid.u32  }
0x179: {  	s1 =	rddreg [dreg:$0x1];
	p0 =	sne.s32 s2, $0x0  }
0x17a: {  	s3 =	rddreg [dreg:$0x2];
	[bflag:$0x3] =	sbarrier.arrive $0xFFFF;
	s2 =	simm.s32 @!p0 $0x1C02  }
0x17b: {  	[timem:s3], [sflag:s2] =	dma.local @!p0 [hbm:s0], s1  }
0x17c: {  	s0 =	simm.s32 @!p0 $0x2  }
0x17d: {  	_ =	swait.ge @!p0 [sflag:s0], s1  }
0x17e: {  	s1 =	ssub.s32 @!p0 $0x0, s1;
	[sflag:s0] =	ssyncset.done @!p0 $0x0  }
0x17f: {  	[sflag:s0] =	ssyncadd.s32 @!p0 s1  }
0x180: {  	[bflag:$0x3] =	sbarrier.arrive $0xFFFF  }
0x181: {  	_ =	shalt  }

</sc_bundles>
